<compile_context>
chip_gen: v7x
topology: tpu7x:2x2x1
jax: 0.10.2.dev20260603
libtpu: 0.0.44.dev20260713+nightly
codegen_flags: <defaults>
</compile_context>

<pallas_src>
import functools

import jax
import jax.numpy as jnp
from jax import lax
from jax.experimental import pallas as pl
from jax.experimental.pallas import tpu as pltpu
from jax.experimental.pallas import tpu_sc as plsc

NC, NS = 2, 16
NW = NC * NS
SPW = 128
BLK = 64
K = 5


@functools.lru_cache(maxsize=None)
def _make_gather(batch: int, hist: int, d_model: int):
    assert batch == NW * SPW
    halves = SPW // BLK
    ng = hist * halves
    nwin = ng // K
    npair = nwin // 2
    assert ng % K == 0 and nwin % 2 == 0

    mesh = plsc.VectorSubcoreMesh(core_axis_name="c", subcore_axis_name="s")

    @functools.partial(
        pl.kernel,
        mesh=mesh,
        compiler_params=pltpu.CompilerParams(
            disable_bounds_checks=True,
            disable_semaphore_checks=True,
        ),
        out_type=jax.ShapeDtypeStruct((hist, batch, d_model), jnp.float32),
        scratch_types=[
            pltpu.VMEM((hist, SPW), jnp.int32),
            pltpu.VMEM((2, K, BLK, d_model), jnp.float32),
            pltpu.SemaphoreType.DMA,
            pltpu.SemaphoreType.DMA,
            pltpu.SemaphoreType.DMA,
        ],
    )
    def gather(table_hbm, idxt_hbm, out_hbm, idx_v, rows_v, gsem0, gsem1, ssem):
        wid = lax.axis_index("s") * NC + lax.axis_index("c")
        base = wid * SPW
        pltpu.sync_copy(idxt_hbm.at[:, pl.ds(base, SPW)], idx_v)
        gsems = (gsem0, gsem1)

        def split(g):
            return g // halves, (g % halves) * BLK

        def start_gather(g, s, b):
            h, off = split(g)
            pltpu.async_copy(
                table_hbm.at[idx_v.at[h, pl.ds(off, BLK)]], rows_v.at[s, b], gsems[s])

        def start_store(g, s, b):
            h, off = split(g)
            pltpu.async_copy(
                rows_v.at[s, b], out_hbm.at[h, pl.ds(base + off, BLK)], ssem)

        def wait_one(sem, s, b):
            pltpu.make_async_copy(rows_v.at[s, b], out_hbm.at[0, pl.ds(base, BLK)], sem).wait()

        def window(w, s, first, last):
            def drain_prev():
                for b in range(K):
                    wait_one(ssem, 1 - s, b)
            if first is None:
                drain_prev()
            else:
                pl.when(jnp.logical_not(first))(drain_prev)

            def next_gathers():
                for b in range(K):
                    start_gather((w + 1) * K + b, 1 - s, b)
            if last is None:
                next_gathers()
            else:
                pl.when(jnp.logical_not(last))(next_gathers)

            for b in range(K):
                wait_one(gsems[s], s, b)
            for b in range(K):
                start_store(w * K + b, s, b)

        for b in range(K):
            start_gather(b, 0, b)

        def pair(p, carry):
            window(2 * p, 0, first=(p == 0), last=None)
            window(2 * p + 1, 1, first=None, last=(p == npair - 1))
            return carry

        lax.fori_loop(0, npair, pair, 0)

        for b in range(K):
            wait_one(ssem, 1, b)

    return gather


def kernel(x, table):
    b, h = x.shape
    out_t = _make_gather(b, h, table.shape[1])(table, jnp.swapaxes(x, 0, 1))
    return jnp.transpose(out_t, (1, 0, 2))

# --- scband reference (transcript-rebuilt; emitter-appended) ---
"""Pipeline reference for scband-word-embedding-43379169689709 (READ-ONLY COPY).

The authoritative reference and input builder live on the scoring server;
editing this copy changes nothing except your own understanding.
"""

import jax, jax.numpy as jnp
import numpy as np

VOCAB = 100000
D_MODEL = 128
BATCH = 4096
HIST = 50


def setup_inputs(seed: int = 0) -> dict:
    key = jax.random.key(seed)
    k1, k2 = jax.random.split(key)
    x = jax.random.randint(k1, (BATCH, HIST), 0, VOCAB, dtype=jnp.int32)
    # nn.Embedding weight initialized with normal(mean=0, std=0.2)
    table = 0.2 * jax.random.normal(k2, (VOCAB, D_MODEL), dtype=jnp.float32)
    return {"x": x, "table": table}


def reference(x, table):
    # token embedding lookup; dropout is identity in eval mode
    out = jnp.take(table, x, axis=0)
    return out

if __name__ == "__main__":
    import jax
    _d = setup_inputs()
    print(jax.jit(kernel)(*tuple(_d.values())))

</pallas_src>

<mosaic_0001>
#map = affine_map<(d0, d1) -> (0, 0)>
#map1 = affine_map<(d0, d1) -> (0, 0, 0)>
module attributes {stable_mosaic.version = 14 : i64} {
  func.func @gather(%arg0: i32, %arg1: i32, %arg2: memref<100000x128xf32, #tpu.memory_space<hbm>>, %arg3: memref<50x4096xi32, #tpu.memory_space<hbm>>, %arg4: memref<50x4096x128xf32, #tpu.memory_space<hbm>>, %arg5: memref<50x128xi32, #tpu.memory_space<vmem>>, %arg6: memref<2x5x64x128xf32, #tpu.memory_space<vmem>>, %arg7: memref<!tpu.dma_semaphore, #tpu.memory_space<semaphore_mem>>, %arg8: memref<!tpu.dma_semaphore, #tpu.memory_space<semaphore_mem>>, %arg9: memref<!tpu.dma_semaphore, #tpu.memory_space<semaphore_mem>>) attributes {dimension_semantics = [#tpu.dimension_semantics<core_parallel>, #tpu.dimension_semantics<subcore_parallel>], iteration_bounds = array<i64: 2, 16>, scalar_prefetch = 0 : i64, scratch_operands = 5 : i64, tpu.core_type = #tpu.core_type<sc_vector_subcore>, window_params = [{transform_indices = #map}, {transform_indices = #map}, {transform_indices = #map1}]} {
    %mul3A = arith.constant 2 : i32
    %mul3A_0 = arith.muli %arg1, %mul3A : i32
    %add3A = arith.addi %mul3A_0, %arg0 : i32
    %mul3A_1 = arith.constant 128 : i32
    %mul3A_2 = arith.muli %add3A, %mul3A_1 : i32
    "tpu.region"() ({
      %run_scoped3A = tpu.sem_alloc : memref<!tpu.dma_semaphore, #tpu.memory_space<semaphore_mem>>
      %dma_start3A_156 = arith.constant 0 : i32
      %dma_start3A_157 = tpu.memref_slice %arg3[%dma_start3A_156, %mul3A_2] : memref<50x4096xi32, #tpu.memory_space<hbm>> -> memref<50x128xi32, #tpu.memory_space<hbm>>
      %dma_start3A_158 = arith.constant 0 : i32
      %dma_start3A_159 = tpu.memref_slice %arg3[%dma_start3A_158, %mul3A_2] : memref<50x4096xi32, #tpu.memory_space<hbm>> -> memref<50x128xi32, #tpu.memory_space<hbm>>
      tpu.enqueue_dma source(%dma_start3A_159 : memref<50x128xi32, #tpu.memory_space<hbm>>) target(%arg5 : memref<50x128xi32, #tpu.memory_space<vmem>>) target_semaphore(%run_scoped3A : memref<!tpu.dma_semaphore, #tpu.memory_space<semaphore_mem>>)
      %dma_wait3A_160 = arith.constant 0 : i32
      %dma_wait3A_161 = tpu.memref_slice %arg3[%dma_wait3A_160, %mul3A_2] : memref<50x4096xi32, #tpu.memory_space<hbm>> -> memref<50x128xi32, #tpu.memory_space<hbm>>
      %dma_wait3A_162 = arith.constant 0 : i32
      %dma_wait3A_163 = tpu.memref_slice %arg3[%dma_wait3A_162, %mul3A_2] : memref<50x4096xi32, #tpu.memory_space<hbm>> -> memref<50x128xi32, #tpu.memory_space<hbm>>
      tpu.wait_dma2 semaphore(%run_scoped3A : memref<!tpu.dma_semaphore, #tpu.memory_space<semaphore_mem>>) src(%dma_wait3A_163 : memref<50x128xi32, #tpu.memory_space<hbm>>) dst(%arg5 : memref<50x128xi32, #tpu.memory_space<vmem>>)
      tpu.yield
    }) : () -> ()
    %dma_start3A = arith.constant 0 : i32
    %dma_start3A_3 = arith.constant 0 : i32
    %dma_start3A_4 = arith.constant 0 : i32
    %dma_start3A_5 = arith.constant 0 : i32
    %dma_start3A_6 = arith.constant 0 : i32
    %dma_start3A_7 = tpu.memref_slice %arg6[%dma_start3A_3, %dma_start3A_4, %dma_start3A_5, %dma_start3A_6] : memref<2x5x64x128xf32, #tpu.memory_space<vmem>> -> memref<1x1x64x128xf32, #tpu.memory_space<vmem>>
    %dma_start3A_8 = tpu.memref_squeeze %dma_start3A_7 : memref<1x1x64x128xf32, #tpu.memory_space<vmem>> -> memref<64x128xf32, #tpu.memory_space<vmem>>
    %dma_start3A_9 = arith.constant 0 : i32
    %dma_start3A_10 = tpu.memref_slice %arg5[%dma_start3A, %dma_start3A_9] : memref<50x128xi32, #tpu.memory_space<vmem>> -> memref<1x64xi32, #tpu.memory_space<vmem>>
    %dma_start3A_11 = tpu.memref_squeeze %dma_start3A_10 : memref<1x64xi32, #tpu.memory_space<vmem>> -> memref<64xi32, #tpu.memory_space<vmem>>
    %dma_start3A_12 = arith.constant 0 : i32
    %dma_start3A_13 = arith.constant 0 : i32
    %dma_start3A_14 = tpu.memref_slice %arg2[%dma_start3A_12, %dma_start3A_13] : memref<100000x128xf32, #tpu.memory_space<hbm>> -> memref<100000x128xf32, #tpu.memory_space<hbm>>
    tpu.enqueue_indirect_dma source(%dma_start3A_14 : memref<100000x128xf32, #tpu.memory_space<hbm>>) target(%dma_start3A_8 : memref<64x128xf32, #tpu.memory_space<vmem>>) offsets(%dma_start3A_11 : memref<64xi32, #tpu.memory_space<vmem>>) semaphore(%arg7 : memref<!tpu.dma_semaphore, #tpu.memory_space<semaphore_mem>>)
    %dma_start3A_15 = arith.constant 0 : i32
    %dma_start3A_16 = arith.constant 0 : i32
    %dma_start3A_17 = arith.constant 1 : i32
    %dma_start3A_18 = arith.constant 0 : i32
    %dma_start3A_19 = arith.constant 0 : i32
    %dma_start3A_20 = tpu.memref_slice %arg6[%dma_start3A_16, %dma_start3A_17, %dma_start3A_18, %dma_start3A_19] : memref<2x5x64x128xf32, #tpu.memory_space<vmem>> -> memref<1x1x64x128xf32, #tpu.memory_space<vmem>>
    %dma_start3A_21 = tpu.memref_squeeze %dma_start3A_20 : memref<1x1x64x128xf32, #tpu.memory_space<vmem>> -> memref<64x128xf32, #tpu.memory_space<vmem>>
    %dma_start3A_22 = arith.constant 64 : i32
    %dma_start3A_23 = tpu.memref_slice %arg5[%dma_start3A_15, %dma_start3A_22] : memref<50x128xi32, #tpu.memory_space<vmem>> -> memref<1x64xi32, #tpu.memory_space<vmem>>
    %dma_start3A_24 = tpu.memref_squeeze %dma_start3A_23 : memref<1x64xi32, #tpu.memory_space<vmem>> -> memref<64xi32, #tpu.memory_space<vmem>>
    %dma_start3A_25 = arith.constant 0 : i32
    %dma_start3A_26 = arith.constant 0 : i32
    %dma_start3A_27 = tpu.memref_slice %arg2[%dma_start3A_25, %dma_start3A_26] : memref<100000x128xf32, #tpu.memory_space<hbm>> -> memref<100000x128xf32, #tpu.memory_space<hbm>>
    tpu.enqueue_indirect_dma source(%dma_start3A_27 : memref<100000x128xf32, #tpu.memory_space<hbm>>) target(%dma_start3A_21 : memref<64x128xf32, #tpu.memory_space<vmem>>) offsets(%dma_start3A_24 : memref<64xi32, #tpu.memory_space<vmem>>) semaphore(%arg7 : memref<!tpu.dma_semaphore, #tpu.memory_space<semaphore_mem>>)
    %dma_start3A_28 = arith.constant 1 : i32
    %dma_start3A_29 = arith.constant 0 : i32
    %dma_start3A_30 = arith.constant 2 : i32
    %dma_start3A_31 = arith.constant 0 : i32
    %dma_start3A_32 = arith.constant 0 : i32
    %dma_start3A_33 = tpu.memref_slice %arg6[%dma_start3A_29, %dma_start3A_30, %dma_start3A_31, %dma_start3A_32] : memref<2x5x64x128xf32, #tpu.memory_space<vmem>> -> memref<1x1x64x128xf32, #tpu.memory_space<vmem>>
    %dma_start3A_34 = tpu.memref_squeeze %dma_start3A_33 : memref<1x1x64x128xf32, #tpu.memory_space<vmem>> -> memref<64x128xf32, #tpu.memory_space<vmem>>
    %dma_start3A_35 = arith.constant 0 : i32
    %dma_start3A_36 = tpu.memref_slice %arg5[%dma_start3A_28, %dma_start3A_35] : memref<50x128xi32, #tpu.memory_space<vmem>> -> memref<1x64xi32, #tpu.memory_space<vmem>>
    %dma_start3A_37 = tpu.memref_squeeze %dma_start3A_36 : memref<1x64xi32, #tpu.memory_space<vmem>> -> memref<64xi32, #tpu.memory_space<vmem>>
    %dma_start3A_38 = arith.constant 0 : i32
    %dma_start3A_39 = arith.constant 0 : i32
    %dma_start3A_40 = tpu.memref_slice %arg2[%dma_start3A_38, %dma_start3A_39] : memref<100000x128xf32, #tpu.memory_space<hbm>> -> memref<100000x128xf32, #tpu.memory_space<hbm>>
    tpu.enqueue_indirect_dma source(%dma_start3A_40 : memref<100000x128xf32, #tpu.memory_space<hbm>>) target(%dma_start3A_34 : memref<64x128xf32, #tpu.memory_space<vmem>>) offsets(%dma_start3A_37 : memref<64xi32, #tpu.memory_space<vmem>>) semaphore(%arg7 : memref<!tpu.dma_semaphore, #tpu.memory_space<semaphore_mem>>)
    %dma_start3A_41 = arith.constant 1 : i32
    %dma_start3A_42 = arith.constant 0 : i32
    %dma_start3A_43 = arith.constant 3 : i32
    %dma_start3A_44 = arith.constant 0 : i32
    %dma_start3A_45 = arith.constant 0 : i32
    %dma_start3A_46 = tpu.memref_slice %arg6[%dma_start3A_42, %dma_start3A_43, %dma_start3A_44, %dma_start3A_45] : memref<2x5x64x128xf32, #tpu.memory_space<vmem>> -> memref<1x1x64x128xf32, #tpu.memory_space<vmem>>
    %dma_start3A_47 = tpu.memref_squeeze %dma_start3A_46 : memref<1x1x64x128xf32, #tpu.memory_space<vmem>> -> memref<64x128xf32, #tpu.memory_space<vmem>>
    %dma_start3A_48 = arith.constant 64 : i32
    %dma_start3A_49 = tpu.memref_slice %arg5[%dma_start3A_41, %dma_start3A_48] : memref<50x128xi32, #tpu.memory_space<vmem>> -> memref<1x64xi32, #tpu.memory_space<vmem>>
    %dma_start3A_50 = tpu.memref_squeeze %dma_start3A_49 : memref<1x64xi32, #tpu.memory_space<vmem>> -> memref<64xi32, #tpu.memory_space<vmem>>
    %dma_start3A_51 = arith.constant 0 : i32
    %dma_start3A_52 = arith.constant 0 : i32
    %dma_start3A_53 = tpu.memref_slice %arg2[%dma_start3A_51, %dma_start3A_52] : memref<100000x128xf32, #tpu.memory_space<hbm>> -> memref<100000x128xf32, #tpu.memory_space<hbm>>
    tpu.enqueue_indirect_dma source(%dma_start3A_53 : memref<100000x128xf32, #tpu.memory_space<hbm>>) target(%dma_start3A_47 : memref<64x128xf32, #tpu.memory_space<vmem>>) offsets(%dma_start3A_50 : memref<64xi32, #tpu.memory_space<vmem>>) semaphore(%arg7 : memref<!tpu.dma_semaphore, #tpu.memory_space<semaphore_mem>>)
    %dma_start3A_54 = arith.constant 2 : i32
    %dma_start3A_55 = arith.constant 0 : i32
    %dma_start3A_56 = arith.constant 4 : i32
    %dma_start3A_57 = arith.constant 0 : i32
    %dma_start3A_58 = arith.constant 0 : i32
    %dma_start3A_59 = tpu.memref_slice %arg6[%dma_start3A_55, %dma_start3A_56, %dma_start3A_57, %dma_start3A_58] : memref<2x5x64x128xf32, #tpu.memory_space<vmem>> -> memref<1x1x64x128xf32, #tpu.memory_space<vmem>>
    %dma_start3A_60 = tpu.memref_squeeze %dma_start3A_59 : memref<1x1x64x128xf32, #tpu.memory_space<vmem>> -> memref<64x128xf32, #tpu.memory_space<vmem>>
    %dma_start3A_61 = arith.constant 0 : i32
    %dma_start3A_62 = tpu.memref_slice %arg5[%dma_start3A_54, %dma_start3A_61] : memref<50x128xi32, #tpu.memory_space<vmem>> -> memref<1x64xi32, #tpu.memory_space<vmem>>
    %dma_start3A_63 = tpu.memref_squeeze %dma_start3A_62 : memref<1x64xi32, #tpu.memory_space<vmem>> -> memref<64xi32, #tpu.memory_space<vmem>>
    %dma_start3A_64 = arith.constant 0 : i32
    %dma_start3A_65 = arith.constant 0 : i32
    %dma_start3A_66 = tpu.memref_slice %arg2[%dma_start3A_64, %dma_start3A_65] : memref<100000x128xf32, #tpu.memory_space<hbm>> -> memref<100000x128xf32, #tpu.memory_space<hbm>>
    tpu.enqueue_indirect_dma source(%dma_start3A_66 : memref<100000x128xf32, #tpu.memory_space<hbm>>) target(%dma_start3A_60 : memref<64x128xf32, #tpu.memory_space<vmem>>) offsets(%dma_start3A_63 : memref<64xi32, #tpu.memory_space<vmem>>) semaphore(%arg7 : memref<!tpu.dma_semaphore, #tpu.memory_space<semaphore_mem>>)
    %scan3A = arith.constant 0 : i32
    %scan3A_67 = arith.constant 0 : i32
    %scan3A_68 = arith.constant 10 : i32
    %scan3A_69 = arith.addi %scan3A_67, %scan3A_68 : i32
    %scan3A_70 = arith.constant 1 : i32
    scf.for %scan3A_156 = %scan3A_67 to %scan3A_69 step %scan3A_70  : i32 {
      %mul3A_157 = arith.constant 2 : i32
      %mul3A_158 = arith.muli %mul3A_157, %scan3A_156 : i32
      %eq3A = arith.constant 0 : i32
      %eq3A_159 = arith.cmpi eq, %scan3A_156, %eq3A : i32
      %not3A = arith.constant true
      %not3A_160 = arith.xori %eq3A_159, %not3A : i1
      %convert_element_type3A = arith.extui %not3A_160 : i1 to i32
      %cond3A = arith.constant 0 : i32
      %cond3A_161 = arith.cmpi ne, %convert_element_type3A, %cond3A : i32
      scf.if %cond3A_161 {
        %dma_wait3A_1344 = arith.constant 1 : i32
        %dma_wait3A_1345 = arith.constant 0 : i32
        %dma_wait3A_1346 = arith.constant 0 : i32
        %dma_wait3A_1347 = arith.constant 0 : i32
        %dma_wait3A_1348 = arith.constant 0 : i32
        %dma_wait3A_1349 = tpu.memref_slice %arg6[%dma_wait3A_1344, %dma_wait3A_1345, %dma_wait3A_1347, %dma_wait3A_1348] : memref<2x5x64x128xf32, #tpu.memory_space<vmem>> -> memref<1x1x64x128xf32, #tpu.memory_space<vmem>>
        %dma_wait3A_1350 = tpu.memref_squeeze %dma_wait3A_1349 : memref<1x1x64x128xf32, #tpu.memory_space<vmem>> -> memref<64x128xf32, #tpu.memory_space<vmem>>
        %dma_wait3A_1351 = arith.constant 0 : i32
        %dma_wait3A_1352 = tpu.memref_slice %arg4[%dma_wait3A_1346, %mul3A_2, %dma_wait3A_1351] : memref<50x4096x128xf32, #tpu.memory_space<hbm>> -> memref<1x64x128xf32, #tpu.memory_space<hbm>>
        %dma_wait3A_1353 = tpu.memref_squeeze %dma_wait3A_1352 : memref<1x64x128xf32, #tpu.memory_space<hbm>> -> memref<64x128xf32, #tpu.memory_space<hbm>>
        %dma_wait3A_1354 = arith.constant 0 : i32
        %dma_wait3A_1355 = tpu.memref_slice %arg4[%dma_wait3A_1346, %mul3A_2, %dma_wait3A_1354] : memref<50x4096x128xf32, #tpu.memory_space<hbm>> -> memref<1x64x128xf32, #tpu.memory_space<hbm>>
        %dma_wait3A_1356 = tpu.memref_squeeze %dma_wait3A_1355 : memref<1x64x128xf32, #tpu.memory_space<hbm>> -> memref<64x128xf32, #tpu.memory_space<hbm>>
        %dma_wait3A_1357 = arith.constant 0 : i32
        %dma_wait3A_1358 = arith.constant 0 : i32
        %dma_wait3A_1359 = tpu.memref_slice %arg6[%dma_wait3A_1344, %dma_wait3A_1345, %dma_wait3A_1357, %dma_wait3A_1358] : memref<2x5x64x128xf32, #tpu.memory_space<vmem>> -> memref<1x1x64x128xf32, #tpu.memory_space<vmem>>
        %dma_wait3A_1360 = tpu.memref_squeeze %dma_wait3A_1359 : memref<1x1x64x128xf32, #tpu.memory_space<vmem>> -> memref<64x128xf32, #tpu.memory_space<vmem>>
        tpu.wait_dma2 semaphore(%arg9 : memref<!tpu.dma_semaphore, #tpu.memory_space<semaphore_mem>>) src(%dma_wait3A_1360 : memref<64x128xf32, #tpu.memory_space<vmem>>) dst(%dma_wait3A_1356 : memref<64x128xf32, #tpu.memory_space<hbm>>)
        %dma_wait3A_1361 = arith.constant 1 : i32
        %dma_wait3A_1362 = arith.constant 1 : i32
        %dma_wait3A_1363 = arith.constant 0 : i32
        %dma_wait3A_1364 = arith.constant 0 : i32
        %dma_wait3A_1365 = arith.constant 0 : i32
        %dma_wait3A_1366 = tpu.memref_slice %arg6[%dma_wait3A_1361, %dma_wait3A_1362, %dma_wait3A_1364, %dma_wait3A_1365] : memref<2x5x64x128xf32, #tpu.memory_space<vmem>> -> memref<1x1x64x128xf32, #tpu.memory_space<vmem>>
        %dma_wait3A_1367 = tpu.memref_squeeze %dma_wait3A_1366 : memref<1x1x64x128xf32, #tpu.memory_space<vmem>> -> memref<64x128xf32, #tpu.memory_space<vmem>>
        %dma_wait3A_1368 = arith.constant 0 : i32
        %dma_wait3A_1369 = tpu.memref_slice %arg4[%dma_wait3A_1363, %mul3A_2, %dma_wait3A_1368] : memref<50x4096x128xf32, #tpu.memory_space<hbm>> -> memref<1x64x128xf32, #tpu.memory_space<hbm>>
        %dma_wait3A_1370 = tpu.memref_squeeze %dma_wait3A_1369 : memref<1x64x128xf32, #tpu.memory_space<hbm>> -> memref<64x128xf32, #tpu.memory_space<hbm>>
        %dma_wait3A_1371 = arith.constant 0 : i32
        %dma_wait3A_1372 = tpu.memref_slice %arg4[%dma_wait3A_1363, %mul3A_2, %dma_wait3A_1371] : memref<50x4096x128xf32, #tpu.memory_space<hbm>> -> memref<1x64x128xf32, #tpu.memory_space<hbm>>
        %dma_wait3A_1373 = tpu.memref_squeeze %dma_wait3A_1372 : memref<1x64x128xf32, #tpu.memory_space<hbm>> -> memref<64x128xf32, #tpu.memory_space<hbm>>
        %dma_wait3A_1374 = arith.constant 0 : i32
        %dma_wait3A_1375 = arith.constant 0 : i32
        %dma_wait3A_1376 = tpu.memref_slice %arg6[%dma_wait3A_1361, %dma_wait3A_1362, %dma_wait3A_1374, %dma_wait3A_1375] : memref<2x5x64x128xf32, #tpu.memory_space<vmem>> -> memref<1x1x64x128xf32, #tpu.memory_space<vmem>>
        %dma_wait3A_1377 = tpu.memref_squeeze %dma_wait3A_1376 : memref<1x1x64x128xf32, #tpu.memory_space<vmem>> -> memref<64x128xf32, #tpu.memory_space<vmem>>
        tpu.wait_dma2 semaphore(%arg9 : memref<!tpu.dma_semaphore, #tpu.memory_space<semaphore_mem>>) src(%dma_wait3A_1377 : memref<64x128xf32, #tpu.memory_space<vmem>>) dst(%dma_wait3A_1373 : memref<64x128xf32, #tpu.memory_space<hbm>>)
        %dma_wait3A_1378 = arith.constant 1 : i32
        %dma_wait3A_1379 = arith.constant 2 : i32
        %dma_wait3A_1380 = arith.constant 0 : i32
        %dma_wait3A_1381 = arith.constant 0 : i32
        %dma_wait3A_1382 = arith.constant 0 : i32
        %dma_wait3A_1383 = tpu.memref_slice %arg6[%dma_wait3A_1378, %dma_wait3A_1379, %dma_wait3A_1381, %dma_wait3A_1382] : memref<2x5x64x128xf32, #tpu.memory_space<vmem>> -> memref<1x1x64x128xf32, #tpu.memory_space<vmem>>
        %dma_wait3A_1384 = tpu.memref_squeeze %dma_wait3A_1383 : memref<1x1x64x128xf32, #tpu.memory_space<vmem>> -> memref<64x128xf32, #tpu.memory_space<vmem>>
        %dma_wait3A_1385 = arith.constant 0 : i32
        %dma_wait3A_1386 = tpu.memref_slice %arg4[%dma_wait3A_1380, %mul3A_2, %dma_wait3A_1385] : memref<50x4096x128xf32, #tpu.memory_space<hbm>> -> memref<1x64x128xf32, #tpu.memory_space<hbm>>
        %dma_wait3A_1387 = tpu.memref_squeeze %dma_wait3A_1386 : memref<1x64x128xf32, #tpu.memory_space<hbm>> -> memref<64x128xf32, #tpu.memory_space<hbm>>
        %dma_wait3A_1388 = arith.constant 0 : i32
        %dma_wait3A_1389 = tpu.memref_slice %arg4[%dma_wait3A_1380, %mul3A_2, %dma_wait3A_1388] : memref<50x4096x128xf32, #tpu.memory_space<hbm>> -> memref<1x64x128xf32, #tpu.memory_space<hbm>>
        %dma_wait3A_1390 = tpu.memref_squeeze %dma_wait3A_1389 : memref<1x64x128xf32, #tpu.memory_space<hbm>> -> memref<64x128xf32, #tpu.memory_space<hbm>>
        %dma_wait3A_1391 = arith.constant 0 : i32
        %dma_wait3A_1392 = arith.constant 0 : i32
        %dma_wait3A_1393 = tpu.memref_slice %arg6[%dma_wait3A_1378, %dma_wait3A_1379, %dma_wait3A_1391, %dma_wait3A_1392] : memref<2x5x64x128xf32, #tpu.memory_space<vmem>> -> memref<1x1x64x128xf32, #tpu.memory_space<vmem>>
        %dma_wait3A_1394 = tpu.memref_squeeze %dma_wait3A_1393 : memref<1x1x64x128xf32, #tpu.memory_space<vmem>> -> memref<64x128xf32, #tpu.memory_space<vmem>>
        tpu.wait_dma2 semaphore(%arg9 : memref<!tpu.dma_semaphore, #tpu.memory_space<semaphore_mem>>) src(%dma_wait3A_1394 : memref<64x128xf32, #tpu.memory_space<vmem>>) dst(%dma_wait3A_1390 : memref<64x128xf32, #tpu.memory_space<hbm>>)
        %dma_wait3A_1395 = arith.constant 1 : i32
        %dma_wait3A_1396 = arith.constant 3 : i32
        %dma_wait3A_1397 = arith.constant 0 : i32
        %dma_wait3A_1398 = arith.constant 0 : i32
        %dma_wait3A_1399 = arith.constant 0 : i32
        %dma_wait3A_1400 = tpu.memref_slice %arg6[%dma_wait3A_1395, %dma_wait3A_1396, %dma_wait3A_1398, %dma_wait3A_1399] : memref<2x5x64x128xf32, #tpu.memory_space<vmem>> -> memref<1x1x64x128xf32, #tpu.memory_space<vmem>>
        %dma_wait3A_1401 = tpu.memref_squeeze %dma_wait3A_1400 : memref<1x1x64x128xf32, #tpu.memory_space<vmem>> -> memref<64x128xf32, #tpu.memory_space<vmem>>
        %dma_wait3A_1402 = arith.constant 0 : i32
        %dma_wait3A_1403 = tpu.memref_slice %arg4[%dma_wait3A_1397, %mul3A_2, %dma_wait3A_1402] : memref<50x4096x128xf32, #tpu.memory_space<hbm>> -> memref<1x64x128xf32, #tpu.memory_space<hbm>>
        %dma_wait3A_1404 = tpu.memref_squeeze %dma_wait3A_1403 : memref<1x64x128xf32, #tpu.memory_space<hbm>> -> memref<64x128xf32, #tpu.memory_space<hbm>>
        %dma_wait3A_1405 = arith.constant 0 : i32
        %dma_wait3A_1406 = tpu.memref_slice %arg4[%dma_wait3A_1397, %mul3A_2, %dma_wait3A_1405] : memref<50x4096x128xf32, #tpu.memory_space<hbm>> -> memref<1x64x128xf32, #tpu.memory_space<hbm>>
        %dma_wait3A_1407 = tpu.memref_squeeze %dma_wait3A_1406 : memref<1x64x128xf32, #tpu.memory_space<hbm>> -> memref<64x128xf32, #tpu.memory_space<hbm>>
        %dma_wait3A_1408 = arith.constant 0 : i32
        %dma_wait3A_1409 = arith.constant 0 : i32
        %dma_wait3A_1410 = tpu.memref_slice %arg6[%dma_wait3A_1395, %dma_wait3A_1396, %dma_wait3A_1408, %dma_wait3A_1409] : memref<2x5x64x128xf32, #tpu.memory_space<vmem>> -> memref<1x1x64x128xf32, #tpu.memory_space<vmem>>
        %dma_wait3A_1411 = tpu.memref_squeeze %dma_wait3A_1410 : memref<1x1x64x128xf32, #tpu.memory_space<vmem>> -> memref<64x128xf32, #tpu.memory_space<vmem>>
        tpu.wait_dma2 semaphore(%arg9 : memref<!tpu.dma_semaphore, #tpu.memory_space<semaphore_mem>>) src(%dma_wait3A_1411 : memref<64x128xf32, #tpu.memory_space<vmem>>) dst(%dma_wait3A_1407 : memref<64x128xf32, #tpu.memory_space<hbm>>)
        %dma_wait3A_1412 = arith.constant 1 : i32
        %dma_wait3A_1413 = arith.constant 4 : i32
        %dma_wait3A_1414 = arith.constant 0 : i32
        %dma_wait3A_1415 = arith.constant 0 : i32
        %dma_wait3A_1416 = arith.constant 0 : i32
        %dma_wait3A_1417 = tpu.memref_slice %arg6[%dma_wait3A_1412, %dma_wait3A_1413, %dma_wait3A_1415, %dma_wait3A_1416] : memref<2x5x64x128xf32, #tpu.memory_space<vmem>> -> memref<1x1x64x128xf32, #tpu.memory_space<vmem>>
        %dma_wait3A_1418 = tpu.memref_squeeze %dma_wait3A_1417 : memref<1x1x64x128xf32, #tpu.memory_space<vmem>> -> memref<64x128xf32, #tpu.memory_space<vmem>>
        %dma_wait3A_1419 = arith.constant 0 : i32
        %dma_wait3A_1420 = tpu.memref_slice %arg4[%dma_wait3A_1414, %mul3A_2, %dma_wait3A_1419] : memref<50x4096x128xf32, #tpu.memory_space<hbm>> -> memref<1x64x128xf32, #tpu.memory_space<hbm>>
        %dma_wait3A_1421 = tpu.memref_squeeze %dma_wait3A_1420 : memref<1x64x128xf32, #tpu.memory_space<hbm>> -> memref<64x128xf32, #tpu.memory_space<hbm>>
        %dma_wait3A_1422 = arith.constant 0 : i32
        %dma_wait3A_1423 = tpu.memref_slice %arg4[%dma_wait3A_1414, %mul3A_2, %dma_wait3A_1422] : memref<50x4096x128xf32, #tpu.memory_space<hbm>> -> memref<1x64x128xf32, #tpu.memory_space<hbm>>
        %dma_wait3A_1424 = tpu.memref_squeeze %dma_wait3A_1423 : memref<1x64x128xf32, #tpu.memory_space<hbm>> -> memref<64x128xf32, #tpu.memory_space<hbm>>
        %dma_wait3A_1425 = arith.constant 0 : i32
        %dma_wait3A_1426 = arith.constant 0 : i32
        %dma_wait3A_1427 = tpu.memref_slice %arg6[%dma_wait3A_1412, %dma_wait3A_1413, %dma_wait3A_1425, %dma_wait3A_1426] : memref<2x5x64x128xf32, #tpu.memory_space<vmem>> -> memref<1x1x64x128xf32, #tpu.memory_space<vmem>>
        %dma_wait3A_1428 = tpu.memref_squeeze %dma_wait3A_1427 : memref<1x1x64x128xf32, #tpu.memory_space<vmem>> -> memref<64x128xf32, #tpu.memory_space<vmem>>
        tpu.wait_dma2 semaphore(%arg9 : memref<!tpu.dma_semaphore, #tpu.memory_space<semaphore_mem>>) src(%dma_wait3A_1428 : memref<64x128xf32, #tpu.memory_space<vmem>>) dst(%dma_wait3A_1424 : memref<64x128xf32, #tpu.memory_space<hbm>>)
      } else {
      }
      %add3A_162 = arith.constant 1 : i32
      %add3A_163 = arith.addi %mul3A_158, %add3A_162 : i32
      %mul3A_164 = arith.constant 5 : i32
      %mul3A_165 = arith.muli %add3A_163, %mul3A_164 : i32
      %add3A_166 = arith.constant 0 : i32
      %add3A_167 = arith.addi %mul3A_165, %add3A_166 : i32
      %jit3A = arith.constant 2 : i32
      %div3A = arith.divsi %add3A_167, %jit3A : i32
      %sign3A = arith.constant 0 : i32
      %sign3A_168 = arith.cmpi sgt, %add3A_167, %sign3A : i32
      %sign3A_169 = arith.extui %sign3A_168 : i1 to i32
      %sign3A_170 = arith.constant 0 : i32
      %sign3A_171 = arith.cmpi slt, %add3A_167, %sign3A_170 : i32
      %sign3A_172 = arith.extui %sign3A_171 : i1 to i32
      %sign3A_173 = arith.subi %sign3A_169, %sign3A_172 : i32
      %sign3A_174 = arith.constant 0 : i32
      %sign3A_175 = arith.cmpi sgt, %jit3A, %sign3A_174 : i32
      %sign3A_176 = arith.extui %sign3A_175 : i1 to i32
      %sign3A_177 = arith.constant 0 : i32
      %sign3A_178 = arith.cmpi slt, %jit3A, %sign3A_177 : i32
      %sign3A_179 = arith.extui %sign3A_178 : i1 to i32
      %sign3A_180 = arith.subi %sign3A_176, %sign3A_179 : i32
      %ne3A = arith.cmpi ne, %sign3A_173, %sign3A_180 : i32
      %rem3A = arith.remsi %add3A_167, %jit3A : i32
      %ne3A_181 = arith.constant 0 : i32
      %ne3A_182 = arith.cmpi ne, %rem3A, %ne3A_181 : i32
      %and3A = arith.andi %ne3A, %ne3A_182 : i1
      %sub3A = arith.constant 1 : i32
      %sub3A_183 = arith.subi %div3A, %sub3A : i32
      %select_n3A = arith.select %and3A, %sub3A_183, %div3A : i32
      %jit3A_184 = arith.constant 2 : i32
      %eq3A_185 = arith.constant 0 : i32
      %eq3A_186 = arith.cmpi eq, %jit3A_184, %eq3A_185 : i32
      %jit3A_187 = arith.constant 1 : i32
      %select_n3A_188 = arith.select %eq3A_186, %jit3A_187, %jit3A_184 : i32
      %rem3A_189 = arith.remsi %add3A_167, %select_n3A_188 : i32
      %ne3A_190 = arith.constant 0 : i32
      %ne3A_191 = arith.cmpi ne, %rem3A_189, %ne3A_190 : i32
      %lt3A = arith.constant 0 : i32
      %lt3A_192 = arith.cmpi slt, %rem3A_189, %lt3A : i32
      %lt3A_193 = arith.constant 0 : i32
      %lt3A_194 = arith.cmpi slt, %select_n3A_188, %lt3A_193 : i32
      %ne3A_195 = arith.xori %lt3A_192, %lt3A_194 : i1
      %and3A_196 = arith.andi %ne3A_195, %ne3A_191 : i1
      %add3A_197 = arith.addi %rem3A_189, %select_n3A_188 : i32
      %select_n3A_198 = arith.select %and3A_196, %add3A_197, %rem3A_189 : i32
      %mul3A_199 = arith.constant 64 : i32
      %mul3A_200 = arith.muli %select_n3A_198, %mul3A_199 : i32
      %dma_start3A_201 = arith.constant 1 : i32
      %dma_start3A_202 = arith.constant 0 : i32
      %dma_start3A_203 = arith.constant 0 : i32
      %dma_start3A_204 = arith.constant 0 : i32
      %dma_start3A_205 = tpu.memref_slice %arg6[%dma_start3A_201, %dma_start3A_202, %dma_start3A_203, %dma_start3A_204] : memref<2x5x64x128xf32, #tpu.memory_space<vmem>> -> memref<1x1x64x128xf32, #tpu.memory_space<vmem>>
      %dma_start3A_206 = tpu.memref_squeeze %dma_start3A_205 : memref<1x1x64x128xf32, #tpu.memory_space<vmem>> -> memref<64x128xf32, #tpu.memory_space<vmem>>
      %dma_start3A_207 = tpu.memref_slice %arg5[%select_n3A, %mul3A_200] : memref<50x128xi32, #tpu.memory_space<vmem>> -> memref<1x64xi32, #tpu.memory_space<vmem>>
      %dma_start3A_208 = tpu.memref_squeeze %dma_start3A_207 : memref<1x64xi32, #tpu.memory_space<vmem>> -> memref<64xi32, #tpu.memory_space<vmem>>
      %dma_start3A_209 = arith.constant 0 : i32
      %dma_start3A_210 = arith.constant 0 : i32
      %dma_start3A_211 = tpu.memref_slice %arg2[%dma_start3A_209, %dma_start3A_210] : memref<100000x128xf32, #tpu.memory_space<hbm>> -> memref<100000x128xf32, #tpu.memory_space<hbm>>
      tpu.enqueue_indirect_dma source(%dma_start3A_211 : memref<100000x128xf32, #tpu.memory_space<hbm>>) target(%dma_start3A_206 : memref<64x128xf32, #tpu.memory_space<vmem>>) offsets(%dma_start3A_208 : memref<64xi32, #tpu.memory_space<vmem>>) semaphore(%arg8 : memref<!tpu.dma_semaphore, #tpu.memory_space<semaphore_mem>>)
      %add3A_212 = arith.constant 1 : i32
      %add3A_213 = arith.addi %mul3A_158, %add3A_212 : i32
      %mul3A_214 = arith.constant 5 : i32
      %mul3A_215 = arith.muli %add3A_213, %mul3A_214 : i32
      %add3A_216 = arith.constant 1 : i32
      %add3A_217 = arith.addi %mul3A_215, %add3A_216 : i32
      %jit3A_218 = arith.constant 2 : i32
      %div3A_219 = arith.divsi %add3A_217, %jit3A_218 : i32
      %sign3A_220 = arith.constant 0 : i32
      %sign3A_221 = arith.cmpi sgt, %add3A_217, %sign3A_220 : i32
      %sign3A_222 = arith.extui %sign3A_221 : i1 to i32
      %sign3A_223 = arith.constant 0 : i32
      %sign3A_224 = arith.cmpi slt, %add3A_217, %sign3A_223 : i32
      %sign3A_225 = arith.extui %sign3A_224 : i1 to i32
      %sign3A_226 = arith.subi %sign3A_222, %sign3A_225 : i32
      %sign3A_227 = arith.constant 0 : i32
      %sign3A_228 = arith.cmpi sgt, %jit3A_218, %sign3A_227 : i32
      %sign3A_229 = arith.extui %sign3A_228 : i1 to i32
      %sign3A_230 = arith.constant 0 : i32
      %sign3A_231 = arith.cmpi slt, %jit3A_218, %sign3A_230 : i32
      %sign3A_232 = arith.extui %sign3A_231 : i1 to i32
      %sign3A_233 = arith.subi %sign3A_229, %sign3A_232 : i32
      %ne3A_234 = arith.cmpi ne, %sign3A_226, %sign3A_233 : i32
      %rem3A_235 = arith.remsi %add3A_217, %jit3A_218 : i32
      %ne3A_236 = arith.constant 0 : i32
      %ne3A_237 = arith.cmpi ne, %rem3A_235, %ne3A_236 : i32
      %and3A_238 = arith.andi %ne3A_234, %ne3A_237 : i1
      %sub3A_239 = arith.constant 1 : i32
      %sub3A_240 = arith.subi %div3A_219, %sub3A_239 : i32
      %select_n3A_241 = arith.select %and3A_238, %sub3A_240, %div3A_219 : i32
      %jit3A_242 = arith.constant 2 : i32
      %eq3A_243 = arith.constant 0 : i32
      %eq3A_244 = arith.cmpi eq, %jit3A_242, %eq3A_243 : i32
      %jit3A_245 = arith.constant 1 : i32
      %select_n3A_246 = arith.select %eq3A_244, %jit3A_245, %jit3A_242 : i32
      %rem3A_247 = arith.remsi %add3A_217, %select_n3A_246 : i32
      %ne3A_248 = arith.constant 0 : i32
      %ne3A_249 = arith.cmpi ne, %rem3A_247, %ne3A_248 : i32
      %lt3A_250 = arith.constant 0 : i32
      %lt3A_251 = arith.cmpi slt, %rem3A_247, %lt3A_250 : i32
      %lt3A_252 = arith.constant 0 : i32
      %lt3A_253 = arith.cmpi slt, %select_n3A_246, %lt3A_252 : i32
      %ne3A_254 = arith.xori %lt3A_251, %lt3A_253 : i1
      %and3A_255 = arith.andi %ne3A_254, %ne3A_249 : i1
      %add3A_256 = arith.addi %rem3A_247, %select_n3A_246 : i32
      %select_n3A_257 = arith.select %and3A_255, %add3A_256, %rem3A_247 : i32
      %mul3A_258 = arith.constant 64 : i32
      %mul3A_259 = arith.muli %select_n3A_257, %mul3A_258 : i32
      %dma_start3A_260 = arith.constant 1 : i32
      %dma_start3A_261 = arith.constant 1 : i32
      %dma_start3A_262 = arith.constant 0 : i32
      %dma_start3A_263 = arith.constant 0 : i32
      %dma_start3A_264 = tpu.memref_slice %arg6[%dma_start3A_260, %dma_start3A_261, %dma_start3A_262, %dma_start3A_263] : memref<2x5x64x128xf32, #tpu.memory_space<vmem>> -> memref<1x1x64x128xf32, #tpu.memory_space<vmem>>
      %dma_start3A_265 = tpu.memref_squeeze %dma_start3A_264 : memref<1x1x64x128xf32, #tpu.memory_space<vmem>> -> memref<64x128xf32, #tpu.memory_space<vmem>>
      %dma_start3A_266 = tpu.memref_slice %arg5[%select_n3A_241, %mul3A_259] : memref<50x128xi32, #tpu.memory_space<vmem>> -> memref<1x64xi32, #tpu.memory_space<vmem>>
      %dma_start3A_267 = tpu.memref_squeeze %dma_start3A_266 : memref<1x64xi32, #tpu.memory_space<vmem>> -> memref<64xi32, #tpu.memory_space<vmem>>
      %dma_start3A_268 = arith.constant 0 : i32
      %dma_start3A_269 = arith.constant 0 : i32
      %dma_start3A_270 = tpu.memref_slice %arg2[%dma_start3A_268, %dma_start3A_269] : memref<100000x128xf32, #tpu.memory_space<hbm>> -> memref<100000x128xf32, #tpu.memory_space<hbm>>
      tpu.enqueue_indirect_dma source(%dma_start3A_270 : memref<100000x128xf32, #tpu.memory_space<hbm>>) target(%dma_start3A_265 : memref<64x128xf32, #tpu.memory_space<vmem>>) offsets(%dma_start3A_267 : memref<64xi32, #tpu.memory_space<vmem>>) semaphore(%arg8 : memref<!tpu.dma_semaphore, #tpu.memory_space<semaphore_mem>>)
      %add3A_271 = arith.constant 1 : i32
      %add3A_272 = arith.addi %mul3A_158, %add3A_271 : i32
      %mul3A_273 = arith.constant 5 : i32
      %mul3A_274 = arith.muli %add3A_272, %mul3A_273 : i32
      %add3A_275 = arith.constant 2 : i32
      %add3A_276 = arith.addi %mul3A_274, %add3A_275 : i32
      %jit3A_277 = arith.constant 2 : i32
      %div3A_278 = arith.divsi %add3A_276, %jit3A_277 : i32
      %sign3A_279 = arith.constant 0 : i32
      %sign3A_280 = arith.cmpi sgt, %add3A_276, %sign3A_279 : i32
      %sign3A_281 = arith.extui %sign3A_280 : i1 to i32
      %sign3A_282 = arith.constant 0 : i32
      %sign3A_283 = arith.cmpi slt, %add3A_276, %sign3A_282 : i32
      %sign3A_284 = arith.extui %sign3A_283 : i1 to i32
      %sign3A_285 = arith.subi %sign3A_281, %sign3A_284 : i32
      %sign3A_286 = arith.constant 0 : i32
      %sign3A_287 = arith.cmpi sgt, %jit3A_277, %sign3A_286 : i32
      %sign3A_288 = arith.extui %sign3A_287 : i1 to i32
      %sign3A_289 = arith.constant 0 : i32
      %sign3A_290 = arith.cmpi slt, %jit3A_277, %sign3A_289 : i32
      %sign3A_291 = arith.extui %sign3A_290 : i1 to i32
      %sign3A_292 = arith.subi %sign3A_288, %sign3A_291 : i32
      %ne3A_293 = arith.cmpi ne, %sign3A_285, %sign3A_292 : i32
      %rem3A_294 = arith.remsi %add3A_276, %jit3A_277 : i32
      %ne3A_295 = arith.constant 0 : i32
      %ne3A_296 = arith.cmpi ne, %rem3A_294, %ne3A_295 : i32
      %and3A_297 = arith.andi %ne3A_293, %ne3A_296 : i1
      %sub3A_298 = arith.constant 1 : i32
      %sub3A_299 = arith.subi %div3A_278, %sub3A_298 : i32
      %select_n3A_300 = arith.select %and3A_297, %sub3A_299, %div3A_278 : i32
      %jit3A_301 = arith.constant 2 : i32
      %eq3A_302 = arith.constant 0 : i32
      %eq3A_303 = arith.cmpi eq, %jit3A_301, %eq3A_302 : i32
      %jit3A_304 = arith.constant 1 : i32
      %select_n3A_305 = arith.select %eq3A_303, %jit3A_304, %jit3A_301 : i32
      %rem3A_306 = arith.remsi %add3A_276, %select_n3A_305 : i32
      %ne3A_307 = arith.constant 0 : i32
      %ne3A_308 = arith.cmpi ne, %rem3A_306, %ne3A_307 : i32
      %lt3A_309 = arith.constant 0 : i32
      %lt3A_310 = arith.cmpi slt, %rem3A_306, %lt3A_309 : i32
      %lt3A_311 = arith.constant 0 : i32
      %lt3A_312 = arith.cmpi slt, %select_n3A_305, %lt3A_311 : i32
      %ne3A_313 = arith.xori %lt3A_310, %lt3A_312 : i1
      %and3A_314 = arith.andi %ne3A_313, %ne3A_308 : i1
      %add3A_315 = arith.addi %rem3A_306, %select_n3A_305 : i32
      %select_n3A_316 = arith.select %and3A_314, %add3A_315, %rem3A_306 : i32
      %mul3A_317 = arith.constant 64 : i32
      %mul3A_318 = arith.muli %select_n3A_316, %mul3A_317 : i32
      %dma_start3A_319 = arith.constant 1 : i32
      %dma_start3A_320 = arith.constant 2 : i32
      %dma_start3A_321 = arith.constant 0 : i32
      %dma_start3A_322 = arith.constant 0 : i32
      %dma_start3A_323 = tpu.memref_slice %arg6[%dma_start3A_319, %dma_start3A_320, %dma_start3A_321, %dma_start3A_322] : memref<2x5x64x128xf32, #tpu.memory_space<vmem>> -> memref<1x1x64x128xf32, #tpu.memory_space<vmem>>
      %dma_start3A_324 = tpu.memref_squeeze %dma_start3A_323 : memref<1x1x64x128xf32, #tpu.memory_space<vmem>> -> memref<64x128xf32, #tpu.memory_space<vmem>>
      %dma_start3A_325 = tpu.memref_slice %arg5[%select_n3A_300, %mul3A_318] : memref<50x128xi32, #tpu.memory_space<vmem>> -> memref<1x64xi32, #tpu.memory_space<vmem>>
      %dma_start3A_326 = tpu.memref_squeeze %dma_start3A_325 : memref<1x64xi32, #tpu.memory_space<vmem>> -> memref<64xi32, #tpu.memory_space<vmem>>
      %dma_start3A_327 = arith.constant 0 : i32
      %dma_start3A_328 = arith.constant 0 : i32
      %dma_start3A_329 = tpu.memref_slice %arg2[%dma_start3A_327, %dma_start3A_328] : memref<100000x128xf32, #tpu.memory_space<hbm>> -> memref<100000x128xf32, #tpu.memory_space<hbm>>
      tpu.enqueue_indirect_dma source(%dma_start3A_329 : memref<100000x128xf32, #tpu.memory_space<hbm>>) target(%dma_start3A_324 : memref<64x128xf32, #tpu.memory_space<vmem>>) offsets(%dma_start3A_326 : memref<64xi32, #tpu.memory_space<vmem>>) semaphore(%arg8 : memref<!tpu.dma_semaphore, #tpu.memory_space<semaphore_mem>>)
      %add3A_330 = arith.constant 1 : i32
      %add3A_331 = arith.addi %mul3A_158, %add3A_330 : i32
      %mul3A_332 = arith.constant 5 : i32
      %mul3A_333 = arith.muli %add3A_331, %mul3A_332 : i32
      %add3A_334 = arith.constant 3 : i32
      %add3A_335 = arith.addi %mul3A_333, %add3A_334 : i32
      %jit3A_336 = arith.constant 2 : i32
      %div3A_337 = arith.divsi %add3A_335, %jit3A_336 : i32
      %sign3A_338 = arith.constant 0 : i32
      %sign3A_339 = arith.cmpi sgt, %add3A_335, %sign3A_338 : i32
      %sign3A_340 = arith.extui %sign3A_339 : i1 to i32
      %sign3A_341 = arith.constant 0 : i32
      %sign3A_342 = arith.cmpi slt, %add3A_335, %sign3A_341 : i32
      %sign3A_343 = arith.extui %sign3A_342 : i1 to i32
      %sign3A_344 = arith.subi %sign3A_340, %sign3A_343 : i32
      %sign3A_345 = arith.constant 0 : i32
      %sign3A_346 = arith.cmpi sgt, %jit3A_336, %sign3A_345 : i32
      %sign3A_347 = arith.extui %sign3A_346 : i1 to i32
      %sign3A_348 = arith.constant 0 : i32
      %sign3A_349 = arith.cmpi slt, %jit3A_336, %sign3A_348 : i32
      %sign3A_350 = arith.extui %sign3A_349 : i1 to i32
      %sign3A_351 = arith.subi %sign3A_347, %sign3A_350 : i32
      %ne3A_352 = arith.cmpi ne, %sign3A_344, %sign3A_351 : i32
      %rem3A_353 = arith.remsi %add3A_335, %jit3A_336 : i32
      %ne3A_354 = arith.constant 0 : i32
      %ne3A_355 = arith.cmpi ne, %rem3A_353, %ne3A_354 : i32
      %and3A_356 = arith.andi %ne3A_352, %ne3A_355 : i1
      %sub3A_357 = arith.constant 1 : i32
      %sub3A_358 = arith.subi %div3A_337, %sub3A_357 : i32
      %select_n3A_359 = arith.select %and3A_356, %sub3A_358, %div3A_337 : i32
      %jit3A_360 = arith.constant 2 : i32
      %eq3A_361 = arith.constant 0 : i32
      %eq3A_362 = arith.cmpi eq, %jit3A_360, %eq3A_361 : i32
      %jit3A_363 = arith.constant 1 : i32
      %select_n3A_364 = arith.select %eq3A_362, %jit3A_363, %jit3A_360 : i32
      %rem3A_365 = arith.remsi %add3A_335, %select_n3A_364 : i32
      %ne3A_366 = arith.constant 0 : i32
      %ne3A_367 = arith.cmpi ne, %rem3A_365, %ne3A_366 : i32
      %lt3A_368 = arith.constant 0 : i32
      %lt3A_369 = arith.cmpi slt, %rem3A_365, %lt3A_368 : i32
      %lt3A_370 = arith.constant 0 : i32
      %lt3A_371 = arith.cmpi slt, %select_n3A_364, %lt3A_370 : i32
      %ne3A_372 = arith.xori %lt3A_369, %lt3A_371 : i1
      %and3A_373 = arith.andi %ne3A_372, %ne3A_367 : i1
      %add3A_374 = arith.addi %rem3A_365, %select_n3A_364 : i32
      %select_n3A_375 = arith.select %and3A_373, %add3A_374, %rem3A_365 : i32
      %mul3A_376 = arith.constant 64 : i32
      %mul3A_377 = arith.muli %select_n3A_375, %mul3A_376 : i32
      %dma_start3A_378 = arith.constant 1 : i32
      %dma_start3A_379 = arith.constant 3 : i32
      %dma_start3A_380 = arith.constant 0 : i32
      %dma_start3A_381 = arith.constant 0 : i32
      %dma_start3A_382 = tpu.memref_slice %arg6[%dma_start3A_378, %dma_start3A_379, %dma_start3A_380, %dma_start3A_381] : memref<2x5x64x128xf32, #tpu.memory_space<vmem>> -> memref<1x1x64x128xf32, #tpu.memory_space<vmem>>
      %dma_start3A_383 = tpu.memref_squeeze %dma_start3A_382 : memref<1x1x64x128xf32, #tpu.memory_space<vmem>> -> memref<64x128xf32, #tpu.memory_space<vmem>>
      %dma_start3A_384 = tpu.memref_slice %arg5[%select_n3A_359, %mul3A_377] : memref<50x128xi32, #tpu.memory_space<vmem>> -> memref<1x64xi32, #tpu.memory_space<vmem>>
      %dma_start3A_385 = tpu.memref_squeeze %dma_start3A_384 : memref<1x64xi32, #tpu.memory_space<vmem>> -> memref<64xi32, #tpu.memory_space<vmem>>
      %dma_start3A_386 = arith.constant 0 : i32
      %dma_start3A_387 = arith.constant 0 : i32
      %dma_start3A_388 = tpu.memref_slice %arg2[%dma_start3A_386, %dma_start3A_387] : memref<100000x128xf32, #tpu.memory_space<hbm>> -> memref<100000x128xf32, #tpu.memory_space<hbm>>
      tpu.enqueue_indirect_dma source(%dma_start3A_388 : memref<100000x128xf32, #tpu.memory_space<hbm>>) target(%dma_start3A_383 : memref<64x128xf32, #tpu.memory_space<vmem>>) offsets(%dma_start3A_385 : memref<64xi32, #tpu.memory_space<vmem>>) semaphore(%arg8 : memref<!tpu.dma_semaphore, #tpu.memory_space<semaphore_mem>>)
      %add3A_389 = arith.constant 1 : i32
      %add3A_390 = arith.addi %mul3A_158, %add3A_389 : i32
      %mul3A_391 = arith.constant 5 : i32
      %mul3A_392 = arith.muli %add3A_390, %mul3A_391 : i32
      %add3A_393 = arith.constant 4 : i32
      %add3A_394 = arith.addi %mul3A_392, %add3A_393 : i32
      %jit3A_395 = arith.constant 2 : i32
      %div3A_396 = arith.divsi %add3A_394, %jit3A_395 : i32
      %sign3A_397 = arith.constant 0 : i32
      %sign3A_398 = arith.cmpi sgt, %add3A_394, %sign3A_397 : i32
      %sign3A_399 = arith.extui %sign3A_398 : i1 to i32
      %sign3A_400 = arith.constant 0 : i32
      %sign3A_401 = arith.cmpi slt, %add3A_394, %sign3A_400 : i32
      %sign3A_402 = arith.extui %sign3A_401 : i1 to i32
      %sign3A_403 = arith.subi %sign3A_399, %sign3A_402 : i32
      %sign3A_404 = arith.constant 0 : i32
      %sign3A_405 = arith.cmpi sgt, %jit3A_395, %sign3A_404 : i32
      %sign3A_406 = arith.extui %sign3A_405 : i1 to i32
      %sign3A_407 = arith.constant 0 : i32
      %sign3A_408 = arith.cmpi slt, %jit3A_395, %sign3A_407 : i32
      %sign3A_409 = arith.extui %sign3A_408 : i1 to i32
      %sign3A_410 = arith.subi %sign3A_406, %sign3A_409 : i32
      %ne3A_411 = arith.cmpi ne, %sign3A_403, %sign3A_410 : i32
      %rem3A_412 = arith.remsi %add3A_394, %jit3A_395 : i32
      %ne3A_413 = arith.constant 0 : i32
      %ne3A_414 = arith.cmpi ne, %rem3A_412, %ne3A_413 : i32
      %and3A_415 = arith.andi %ne3A_411, %ne3A_414 : i1
      %sub3A_416 = arith.constant 1 : i32
      %sub3A_417 = arith.subi %div3A_396, %sub3A_416 : i32
      %select_n3A_418 = arith.select %and3A_415, %sub3A_417, %div3A_396 : i32
      %jit3A_419 = arith.constant 2 : i32
      %eq3A_420 = arith.constant 0 : i32
      %eq3A_421 = arith.cmpi eq, %jit3A_419, %eq3A_420 : i32
      %jit3A_422 = arith.constant 1 : i32
      %select_n3A_423 = arith.select %eq3A_421, %jit3A_422, %jit3A_419 : i32
      %rem3A_424 = arith.remsi %add3A_394, %select_n3A_423 : i32
      %ne3A_425 = arith.constant 0 : i32
      %ne3A_426 = arith.cmpi ne, %rem3A_424, %ne3A_425 : i32
      %lt3A_427 = arith.constant 0 : i32
      %lt3A_428 = arith.cmpi slt, %rem3A_424, %lt3A_427 : i32
      %lt3A_429 = arith.constant 0 : i32
      %lt3A_430 = arith.cmpi slt, %select_n3A_423, %lt3A_429 : i32
      %ne3A_431 = arith.xori %lt3A_428, %lt3A_430 : i1
      %and3A_432 = arith.andi %ne3A_431, %ne3A_426 : i1
      %add3A_433 = arith.addi %rem3A_424, %select_n3A_423 : i32
      %select_n3A_434 = arith.select %and3A_432, %add3A_433, %rem3A_424 : i32
      %mul3A_435 = arith.constant 64 : i32
      %mul3A_436 = arith.muli %select_n3A_434, %mul3A_435 : i32
      %dma_start3A_437 = arith.constant 1 : i32
      %dma_start3A_438 = arith.constant 4 : i32
      %dma_start3A_439 = arith.constant 0 : i32
      %dma_start3A_440 = arith.constant 0 : i32
      %dma_start3A_441 = tpu.memref_slice %arg6[%dma_start3A_437, %dma_start3A_438, %dma_start3A_439, %dma_start3A_440] : memref<2x5x64x128xf32, #tpu.memory_space<vmem>> -> memref<1x1x64x128xf32, #tpu.memory_space<vmem>>
      %dma_start3A_442 = tpu.memref_squeeze %dma_start3A_441 : memref<1x1x64x128xf32, #tpu.memory_space<vmem>> -> memref<64x128xf32, #tpu.memory_space<vmem>>
      %dma_start3A_443 = tpu.memref_slice %arg5[%select_n3A_418, %mul3A_436] : memref<50x128xi32, #tpu.memory_space<vmem>> -> memref<1x64xi32, #tpu.memory_space<vmem>>
      %dma_start3A_444 = tpu.memref_squeeze %dma_start3A_443 : memref<1x64xi32, #tpu.memory_space<vmem>> -> memref<64xi32, #tpu.memory_space<vmem>>
      %dma_start3A_445 = arith.constant 0 : i32
      %dma_start3A_446 = arith.constant 0 : i32
      %dma_start3A_447 = tpu.memref_slice %arg2[%dma_start3A_445, %dma_start3A_446] : memref<100000x128xf32, #tpu.memory_space<hbm>> -> memref<100000x128xf32, #tpu.memory_space<hbm>>
      tpu.enqueue_indirect_dma source(%dma_start3A_447 : memref<100000x128xf32, #tpu.memory_space<hbm>>) target(%dma_start3A_442 : memref<64x128xf32, #tpu.memory_space<vmem>>) offsets(%dma_start3A_444 : memref<64xi32, #tpu.memory_space<vmem>>) semaphore(%arg8 : memref<!tpu.dma_semaphore, #tpu.memory_space<semaphore_mem>>)
      %dma_wait3A_448 = arith.constant 0 : i32
      %dma_wait3A_449 = arith.constant 0 : i32
      %dma_wait3A_450 = arith.constant 0 : i32
      %dma_wait3A_451 = arith.constant 0 : i32
      %dma_wait3A_452 = arith.constant 0 : i32
      %dma_wait3A_453 = tpu.memref_slice %arg6[%dma_wait3A_448, %dma_wait3A_449, %dma_wait3A_451, %dma_wait3A_452] : memref<2x5x64x128xf32, #tpu.memory_space<vmem>> -> memref<1x1x64x128xf32, #tpu.memory_space<vmem>>
      %dma_wait3A_454 = tpu.memref_squeeze %dma_wait3A_453 : memref<1x1x64x128xf32, #tpu.memory_space<vmem>> -> memref<64x128xf32, #tpu.memory_space<vmem>>
      %dma_wait3A_455 = arith.constant 0 : i32
      %dma_wait3A_456 = tpu.memref_slice %arg4[%dma_wait3A_450, %mul3A_2, %dma_wait3A_455] : memref<50x4096x128xf32, #tpu.memory_space<hbm>> -> memref<1x64x128xf32, #tpu.memory_space<hbm>>
      %dma_wait3A_457 = tpu.memref_squeeze %dma_wait3A_456 : memref<1x64x128xf32, #tpu.memory_space<hbm>> -> memref<64x128xf32, #tpu.memory_space<hbm>>
      %dma_wait3A_458 = arith.constant 0 : i32
      %dma_wait3A_459 = tpu.memref_slice %arg4[%dma_wait3A_450, %mul3A_2, %dma_wait3A_458] : memref<50x4096x128xf32, #tpu.memory_space<hbm>> -> memref<1x64x128xf32, #tpu.memory_space<hbm>>
      %dma_wait3A_460 = tpu.memref_squeeze %dma_wait3A_459 : memref<1x64x128xf32, #tpu.memory_space<hbm>> -> memref<64x128xf32, #tpu.memory_space<hbm>>
      %dma_wait3A_461 = arith.constant 0 : i32
      %dma_wait3A_462 = arith.constant 0 : i32
      %dma_wait3A_463 = tpu.memref_slice %arg6[%dma_wait3A_448, %dma_wait3A_449, %dma_wait3A_461, %dma_wait3A_462] : memref<2x5x64x128xf32, #tpu.memory_space<vmem>> -> memref<1x1x64x128xf32, #tpu.memory_space<vmem>>
      %dma_wait3A_464 = tpu.memref_squeeze %dma_wait3A_463 : memref<1x1x64x128xf32, #tpu.memory_space<vmem>> -> memref<64x128xf32, #tpu.memory_space<vmem>>
      tpu.wait_dma2 semaphore(%arg7 : memref<!tpu.dma_semaphore, #tpu.memory_space<semaphore_mem>>) src(%dma_wait3A_464 : memref<64x128xf32, #tpu.memory_space<vmem>>) dst(%dma_wait3A_460 : memref<64x128xf32, #tpu.memory_space<hbm>>)
      %dma_wait3A_465 = arith.constant 0 : i32
      %dma_wait3A_466 = arith.constant 1 : i32
      %dma_wait3A_467 = arith.constant 0 : i32
      %dma_wait3A_468 = arith.constant 0 : i32
      %dma_wait3A_469 = arith.constant 0 : i32
      %dma_wait3A_470 = tpu.memref_slice %arg6[%dma_wait3A_465, %dma_wait3A_466, %dma_wait3A_468, %dma_wait3A_469] : memref<2x5x64x128xf32, #tpu.memory_space<vmem>> -> memref<1x1x64x128xf32, #tpu.memory_space<vmem>>
      %dma_wait3A_471 = tpu.memref_squeeze %dma_wait3A_470 : memref<1x1x64x128xf32, #tpu.memory_space<vmem>> -> memref<64x128xf32, #tpu.memory_space<vmem>>
      %dma_wait3A_472 = arith.constant 0 : i32
      %dma_wait3A_473 = tpu.memref_slice %arg4[%dma_wait3A_467, %mul3A_2, %dma_wait3A_472] : memref<50x4096x128xf32, #tpu.memory_space<hbm>> -> memref<1x64x128xf32, #tpu.memory_space<hbm>>
      %dma_wait3A_474 = tpu.memref_squeeze %dma_wait3A_473 : memref<1x64x128xf32, #tpu.memory_space<hbm>> -> memref<64x128xf32, #tpu.memory_space<hbm>>
      %dma_wait3A_475 = arith.constant 0 : i32
      %dma_wait3A_476 = tpu.memref_slice %arg4[%dma_wait3A_467, %mul3A_2, %dma_wait3A_475] : memref<50x4096x128xf32, #tpu.memory_space<hbm>> -> memref<1x64x128xf32, #tpu.memory_space<hbm>>
      %dma_wait3A_477 = tpu.memref_squeeze %dma_wait3A_476 : memref<1x64x128xf32, #tpu.memory_space<hbm>> -> memref<64x128xf32, #tpu.memory_space<hbm>>
      %dma_wait3A_478 = arith.constant 0 : i32
      %dma_wait3A_479 = arith.constant 0 : i32
      %dma_wait3A_480 = tpu.memref_slice %arg6[%dma_wait3A_465, %dma_wait3A_466, %dma_wait3A_478, %dma_wait3A_479] : memref<2x5x64x128xf32, #tpu.memory_space<vmem>> -> memref<1x1x64x128xf32, #tpu.memory_space<vmem>>
      %dma_wait3A_481 = tpu.memref_squeeze %dma_wait3A_480 : memref<1x1x64x128xf32, #tpu.memory_space<vmem>> -> memref<64x128xf32, #tpu.memory_space<vmem>>
      tpu.wait_dma2 semaphore(%arg7 : memref<!tpu.dma_semaphore, #tpu.memory_space<semaphore_mem>>) src(%dma_wait3A_481 : memref<64x128xf32, #tpu.memory_space<vmem>>) dst(%dma_wait3A_477 : memref<64x128xf32, #tpu.memory_space<hbm>>)
      %dma_wait3A_482 = arith.constant 0 : i32
      %dma_wait3A_483 = arith.constant 2 : i32
      %dma_wait3A_484 = arith.constant 0 : i32
      %dma_wait3A_485 = arith.constant 0 : i32
      %dma_wait3A_486 = arith.constant 0 : i32
      %dma_wait3A_487 = tpu.memref_slice %arg6[%dma_wait3A_482, %dma_wait3A_483, %dma_wait3A_485, %dma_wait3A_486] : memref<2x5x64x128xf32, #tpu.memory_space<vmem>> -> memref<1x1x64x128xf32, #tpu.memory_space<vmem>>
      %dma_wait3A_488 = tpu.memref_squeeze %dma_wait3A_487 : memref<1x1x64x128xf32, #tpu.memory_space<vmem>> -> memref<64x128xf32, #tpu.memory_space<vmem>>
      %dma_wait3A_489 = arith.constant 0 : i32
      %dma_wait3A_490 = tpu.memref_slice %arg4[%dma_wait3A_484, %mul3A_2, %dma_wait3A_489] : memref<50x4096x128xf32, #tpu.memory_space<hbm>> -> memref<1x64x128xf32, #tpu.memory_space<hbm>>
      %dma_wait3A_491 = tpu.memref_squeeze %dma_wait3A_490 : memref<1x64x128xf32, #tpu.memory_space<hbm>> -> memref<64x128xf32, #tpu.memory_space<hbm>>
      %dma_wait3A_492 = arith.constant 0 : i32
      %dma_wait3A_493 = tpu.memref_slice %arg4[%dma_wait3A_484, %mul3A_2, %dma_wait3A_492] : memref<50x4096x128xf32, #tpu.memory_space<hbm>> -> memref<1x64x128xf32, #tpu.memory_space<hbm>>
      %dma_wait3A_494 = tpu.memref_squeeze %dma_wait3A_493 : memref<1x64x128xf32, #tpu.memory_space<hbm>> -> memref<64x128xf32, #tpu.memory_space<hbm>>
      %dma_wait3A_495 = arith.constant 0 : i32
      %dma_wait3A_496 = arith.constant 0 : i32
      %dma_wait3A_497 = tpu.memref_slice %arg6[%dma_wait3A_482, %dma_wait3A_483, %dma_wait3A_495, %dma_wait3A_496] : memref<2x5x64x128xf32, #tpu.memory_space<vmem>> -> memref<1x1x64x128xf32, #tpu.memory_space<vmem>>
      %dma_wait3A_498 = tpu.memref_squeeze %dma_wait3A_497 : memref<1x1x64x128xf32, #tpu.memory_space<vmem>> -> memref<64x128xf32, #tpu.memory_space<vmem>>
      tpu.wait_dma2 semaphore(%arg7 : memref<!tpu.dma_semaphore, #tpu.memory_space<semaphore_mem>>) src(%dma_wait3A_498 : memref<64x128xf32, #tpu.memory_space<vmem>>) dst(%dma_wait3A_494 : memref<64x128xf32, #tpu.memory_space<hbm>>)
      %dma_wait3A_499 = arith.constant 0 : i32
      %dma_wait3A_500 = arith.constant 3 : i32
      %dma_wait3A_501 = arith.constant 0 : i32
      %dma_wait3A_502 = arith.constant 0 : i32
      %dma_wait3A_503 = arith.constant 0 : i32
      %dma_wait3A_504 = tpu.memref_slice %arg6[%dma_wait3A_499, %dma_wait3A_500, %dma_wait3A_502, %dma_wait3A_503] : memref<2x5x64x128xf32, #tpu.memory_space<vmem>> -> memref<1x1x64x128xf32, #tpu.memory_space<vmem>>
      %dma_wait3A_505 = tpu.memref_squeeze %dma_wait3A_504 : memref<1x1x64x128xf32, #tpu.memory_space<vmem>> -> memref<64x128xf32, #tpu.memory_space<vmem>>
      %dma_wait3A_506 = arith.constant 0 : i32
      %dma_wait3A_507 = tpu.memref_slice %arg4[%dma_wait3A_501, %mul3A_2, %dma_wait3A_506] : memref<50x4096x128xf32, #tpu.memory_space<hbm>> -> memref<1x64x128xf32, #tpu.memory_space<hbm>>
      %dma_wait3A_508 = tpu.memref_squeeze %dma_wait3A_507 : memref<1x64x128xf32, #tpu.memory_space<hbm>> -> memref<64x128xf32, #tpu.memory_space<hbm>>
      %dma_wait3A_509 = arith.constant 0 : i32
      %dma_wait3A_510 = tpu.memref_slice %arg4[%dma_wait3A_501, %mul3A_2, %dma_wait3A_509] : memref<50x4096x128xf32, #tpu.memory_space<hbm>> -> memref<1x64x128xf32, #tpu.memory_space<hbm>>
      %dma_wait3A_511 = tpu.memref_squeeze %dma_wait3A_510 : memref<1x64x128xf32, #tpu.memory_space<hbm>> -> memref<64x128xf32, #tpu.memory_space<hbm>>
      %dma_wait3A_512 = arith.constant 0 : i32
      %dma_wait3A_513 = arith.constant 0 : i32
      %dma_wait3A_514 = tpu.memref_slice %arg6[%dma_wait3A_499, %dma_wait3A_500, %dma_wait3A_512, %dma_wait3A_513] : memref<2x5x64x128xf32, #tpu.memory_space<vmem>> -> memref<1x1x64x128xf32, #tpu.memory_space<vmem>>
      %dma_wait3A_515 = tpu.memref_squeeze %dma_wait3A_514 : memref<1x1x64x128xf32, #tpu.memory_space<vmem>> -> memref<64x128xf32, #tpu.memory_space<vmem>>
      tpu.wait_dma2 semaphore(%arg7 : memref<!tpu.dma_semaphore, #tpu.memory_space<semaphore_mem>>) src(%dma_wait3A_515 : memref<64x128xf32, #tpu.memory_space<vmem>>) dst(%dma_wait3A_511 : memref<64x128xf32, #tpu.memory_space<hbm>>)
      %dma_wait3A_516 = arith.constant 0 : i32
      %dma_wait3A_517 = arith.constant 4 : i32
      %dma_wait3A_518 = arith.constant 0 : i32
      %dma_wait3A_519 = arith.constant 0 : i32
      %dma_wait3A_520 = arith.constant 0 : i32
      %dma_wait3A_521 = tpu.memref_slice %arg6[%dma_wait3A_516, %dma_wait3A_517, %dma_wait3A_519, %dma_wait3A_520] : memref<2x5x64x128xf32, #tpu.memory_space<vmem>> -> memref<1x1x64x128xf32, #tpu.memory_space<vmem>>
      %dma_wait3A_522 = tpu.memref_squeeze %dma_wait3A_521 : memref<1x1x64x128xf32, #tpu.memory_space<vmem>> -> memref<64x128xf32, #tpu.memory_space<vmem>>
      %dma_wait3A_523 = arith.constant 0 : i32
      %dma_wait3A_524 = tpu.memref_slice %arg4[%dma_wait3A_518, %mul3A_2, %dma_wait3A_523] : memref<50x4096x128xf32, #tpu.memory_space<hbm>> -> memref<1x64x128xf32, #tpu.memory_space<hbm>>
      %dma_wait3A_525 = tpu.memref_squeeze %dma_wait3A_524 : memref<1x64x128xf32, #tpu.memory_space<hbm>> -> memref<64x128xf32, #tpu.memory_space<hbm>>
      %dma_wait3A_526 = arith.constant 0 : i32
      %dma_wait3A_527 = tpu.memref_slice %arg4[%dma_wait3A_518, %mul3A_2, %dma_wait3A_526] : memref<50x4096x128xf32, #tpu.memory_space<hbm>> -> memref<1x64x128xf32, #tpu.memory_space<hbm>>
      %dma_wait3A_528 = tpu.memref_squeeze %dma_wait3A_527 : memref<1x64x128xf32, #tpu.memory_space<hbm>> -> memref<64x128xf32, #tpu.memory_space<hbm>>
      %dma_wait3A_529 = arith.constant 0 : i32
      %dma_wait3A_530 = arith.constant 0 : i32
      %dma_wait3A_531 = tpu.memref_slice %arg6[%dma_wait3A_516, %dma_wait3A_517, %dma_wait3A_529, %dma_wait3A_530] : memref<2x5x64x128xf32, #tpu.memory_space<vmem>> -> memref<1x1x64x128xf32, #tpu.memory_space<vmem>>
      %dma_wait3A_532 = tpu.memref_squeeze %dma_wait3A_531 : memref<1x1x64x128xf32, #tpu.memory_space<vmem>> -> memref<64x128xf32, #tpu.memory_space<vmem>>
      tpu.wait_dma2 semaphore(%arg7 : memref<!tpu.dma_semaphore, #tpu.memory_space<semaphore_mem>>) src(%dma_wait3A_532 : memref<64x128xf32, #tpu.memory_space<vmem>>) dst(%dma_wait3A_528 : memref<64x128xf32, #tpu.memory_space<hbm>>)
      %mul3A_533 = arith.constant 5 : i32
      %mul3A_534 = arith.muli %mul3A_158, %mul3A_533 : i32
      %add3A_535 = arith.constant 0 : i32
      %add3A_536 = arith.addi %mul3A_534, %add3A_535 : i32
      %jit3A_537 = arith.constant 2 : i32
      %div3A_538 = arith.divsi %add3A_536, %jit3A_537 : i32
      %sign3A_539 = arith.constant 0 : i32
      %sign3A_540 = arith.cmpi sgt, %add3A_536, %sign3A_539 : i32
      %sign3A_541 = arith.extui %sign3A_540 : i1 to i32
      %sign3A_542 = arith.constant 0 : i32
      %sign3A_543 = arith.cmpi slt, %add3A_536, %sign3A_542 : i32
      %sign3A_544 = arith.extui %sign3A_543 : i1 to i32
      %sign3A_545 = arith.subi %sign3A_541, %sign3A_544 : i32
      %sign3A_546 = arith.constant 0 : i32
      %sign3A_547 = arith.cmpi sgt, %jit3A_537, %sign3A_546 : i32
      %sign3A_548 = arith.extui %sign3A_547 : i1 to i32
      %sign3A_549 = arith.constant 0 : i32
      %sign3A_550 = arith.cmpi slt, %jit3A_537, %sign3A_549 : i32
      %sign3A_551 = arith.extui %sign3A_550 : i1 to i32
      %sign3A_552 = arith.subi %sign3A_548, %sign3A_551 : i32
      %ne3A_553 = arith.cmpi ne, %sign3A_545, %sign3A_552 : i32
      %rem3A_554 = arith.remsi %add3A_536, %jit3A_537 : i32
      %ne3A_555 = arith.constant 0 : i32
      %ne3A_556 = arith.cmpi ne, %rem3A_554, %ne3A_555 : i32
      %and3A_557 = arith.andi %ne3A_553, %ne3A_556 : i1
      %sub3A_558 = arith.constant 1 : i32
      %sub3A_559 = arith.subi %div3A_538, %sub3A_558 : i32
      %select_n3A_560 = arith.select %and3A_557, %sub3A_559, %div3A_538 : i32
      %jit3A_561 = arith.constant 2 : i32
      %eq3A_562 = arith.constant 0 : i32
      %eq3A_563 = arith.cmpi eq, %jit3A_561, %eq3A_562 : i32
      %jit3A_564 = arith.constant 1 : i32
      %select_n3A_565 = arith.select %eq3A_563, %jit3A_564, %jit3A_561 : i32
      %rem3A_566 = arith.remsi %add3A_536, %select_n3A_565 : i32
      %ne3A_567 = arith.constant 0 : i32
      %ne3A_568 = arith.cmpi ne, %rem3A_566, %ne3A_567 : i32
      %lt3A_569 = arith.constant 0 : i32
      %lt3A_570 = arith.cmpi slt, %rem3A_566, %lt3A_569 : i32
      %lt3A_571 = arith.constant 0 : i32
      %lt3A_572 = arith.cmpi slt, %select_n3A_565, %lt3A_571 : i32
      %ne3A_573 = arith.xori %lt3A_570, %lt3A_572 : i1
      %and3A_574 = arith.andi %ne3A_573, %ne3A_568 : i1
      %add3A_575 = arith.addi %rem3A_566, %select_n3A_565 : i32
      %select_n3A_576 = arith.select %and3A_574, %add3A_575, %rem3A_566 : i32
      %mul3A_577 = arith.constant 64 : i32
      %mul3A_578 = arith.muli %select_n3A_576, %mul3A_577 : i32
      %add3A_579 = arith.addi %mul3A_2, %mul3A_578 : i32
      %dma_start3A_580 = arith.constant 0 : i32
      %dma_start3A_581 = arith.constant 0 : i32
      %dma_start3A_582 = arith.constant 0 : i32
      %dma_start3A_583 = arith.constant 0 : i32
      %dma_start3A_584 = tpu.memref_slice %arg6[%dma_start3A_580, %dma_start3A_581, %dma_start3A_582, %dma_start3A_583] : memref<2x5x64x128xf32, #tpu.memory_space<vmem>> -> memref<1x1x64x128xf32, #tpu.memory_space<vmem>>
      %dma_start3A_585 = tpu.memref_squeeze %dma_start3A_584 : memref<1x1x64x128xf32, #tpu.memory_space<vmem>> -> memref<64x128xf32, #tpu.memory_space<vmem>>
      %dma_start3A_586 = arith.constant 0 : i32
      %dma_start3A_587 = tpu.memref_slice %arg4[%select_n3A_560, %add3A_579, %dma_start3A_586] : memref<50x4096x128xf32, #tpu.memory_space<hbm>> -> memref<1x64x128xf32, #tpu.memory_space<hbm>>
      %dma_start3A_588 = tpu.memref_squeeze %dma_start3A_587 : memref<1x64x128xf32, #tpu.memory_space<hbm>> -> memref<64x128xf32, #tpu.memory_space<hbm>>
      %dma_start3A_589 = arith.constant 0 : i32
      %dma_start3A_590 = tpu.memref_slice %arg4[%select_n3A_560, %add3A_579, %dma_start3A_589] : memref<50x4096x128xf32, #tpu.memory_space<hbm>> -> memref<1x64x128xf32, #tpu.memory_space<hbm>>
      %dma_start3A_591 = tpu.memref_squeeze %dma_start3A_590 : memref<1x64x128xf32, #tpu.memory_space<hbm>> -> memref<64x128xf32, #tpu.memory_space<hbm>>
      %dma_start3A_592 = arith.constant 0 : i32
      %dma_start3A_593 = arith.constant 0 : i32
      %dma_start3A_594 = tpu.memref_slice %arg6[%dma_start3A_580, %dma_start3A_581, %dma_start3A_592, %dma_start3A_593] : memref<2x5x64x128xf32, #tpu.memory_space<vmem>> -> memref<1x1x64x128xf32, #tpu.memory_space<vmem>>
      %dma_start3A_595 = tpu.memref_squeeze %dma_start3A_594 : memref<1x1x64x128xf32, #tpu.memory_space<vmem>> -> memref<64x128xf32, #tpu.memory_space<vmem>>
      tpu.enqueue_dma source(%dma_start3A_595 : memref<64x128xf32, #tpu.memory_space<vmem>>) target(%dma_start3A_591 : memref<64x128xf32, #tpu.memory_space<hbm>>) target_semaphore(%arg9 : memref<!tpu.dma_semaphore, #tpu.memory_space<semaphore_mem>>)
      %mul3A_596 = arith.constant 5 : i32
      %mul3A_597 = arith.muli %mul3A_158, %mul3A_596 : i32
      %add3A_598 = arith.constant 1 : i32
      %add3A_599 = arith.addi %mul3A_597, %add3A_598 : i32
      %jit3A_600 = arith.constant 2 : i32
      %div3A_601 = arith.divsi %add3A_599, %jit3A_600 : i32
      %sign3A_602 = arith.constant 0 : i32
      %sign3A_603 = arith.cmpi sgt, %add3A_599, %sign3A_602 : i32
      %sign3A_604 = arith.extui %sign3A_603 : i1 to i32
      %sign3A_605 = arith.constant 0 : i32
      %sign3A_606 = arith.cmpi slt, %add3A_599, %sign3A_605 : i32
      %sign3A_607 = arith.extui %sign3A_606 : i1 to i32
      %sign3A_608 = arith.subi %sign3A_604, %sign3A_607 : i32
      %sign3A_609 = arith.constant 0 : i32
      %sign3A_610 = arith.cmpi sgt, %jit3A_600, %sign3A_609 : i32
      %sign3A_611 = arith.extui %sign3A_610 : i1 to i32
      %sign3A_612 = arith.constant 0 : i32
      %sign3A_613 = arith.cmpi slt, %jit3A_600, %sign3A_612 : i32
      %sign3A_614 = arith.extui %sign3A_613 : i1 to i32
      %sign3A_615 = arith.subi %sign3A_611, %sign3A_614 : i32
      %ne3A_616 = arith.cmpi ne, %sign3A_608, %sign3A_615 : i32
      %rem3A_617 = arith.remsi %add3A_599, %jit3A_600 : i32
      %ne3A_618 = arith.constant 0 : i32
      %ne3A_619 = arith.cmpi ne, %rem3A_617, %ne3A_618 : i32
      %and3A_620 = arith.andi %ne3A_616, %ne3A_619 : i1
      %sub3A_621 = arith.constant 1 : i32
      %sub3A_622 = arith.subi %div3A_601, %sub3A_621 : i32
      %select_n3A_623 = arith.select %and3A_620, %sub3A_622, %div3A_601 : i32
      %jit3A_624 = arith.constant 2 : i32
      %eq3A_625 = arith.constant 0 : i32
      %eq3A_626 = arith.cmpi eq, %jit3A_624, %eq3A_625 : i32
      %jit3A_627 = arith.constant 1 : i32
      %select_n3A_628 = arith.select %eq3A_626, %jit3A_627, %jit3A_624 : i32
      %rem3A_629 = arith.remsi %add3A_599, %select_n3A_628 : i32
      %ne3A_630 = arith.constant 0 : i32
      %ne3A_631 = arith.cmpi ne, %rem3A_629, %ne3A_630 : i32
      %lt3A_632 = arith.constant 0 : i32
      %lt3A_633 = arith.cmpi slt, %rem3A_629, %lt3A_632 : i32
      %lt3A_634 = arith.constant 0 : i32
      %lt3A_635 = arith.cmpi slt, %select_n3A_628, %lt3A_634 : i32
      %ne3A_636 = arith.xori %lt3A_633, %lt3A_635 : i1
      %and3A_637 = arith.andi %ne3A_636, %ne3A_631 : i1
      %add3A_638 = arith.addi %rem3A_629, %select_n3A_628 : i32
      %select_n3A_639 = arith.select %and3A_637, %add3A_638, %rem3A_629 : i32
      %mul3A_640 = arith.constant 64 : i32
      %mul3A_641 = arith.muli %select_n3A_639, %mul3A_640 : i32
      %add3A_642 = arith.addi %mul3A_2, %mul3A_641 : i32
      %dma_start3A_643 = arith.constant 0 : i32
      %dma_start3A_644 = arith.constant 1 : i32
      %dma_start3A_645 = arith.constant 0 : i32
      %dma_start3A_646 = arith.constant 0 : i32
      %dma_start3A_647 = tpu.memref_slice %arg6[%dma_start3A_643, %dma_start3A_644, %dma_start3A_645, %dma_start3A_646] : memref<2x5x64x128xf32, #tpu.memory_space<vmem>> -> memref<1x1x64x128xf32, #tpu.memory_space<vmem>>
      %dma_start3A_648 = tpu.memref_squeeze %dma_start3A_647 : memref<1x1x64x128xf32, #tpu.memory_space<vmem>> -> memref<64x128xf32, #tpu.memory_space<vmem>>
      %dma_start3A_649 = arith.constant 0 : i32
      %dma_start3A_650 = tpu.memref_slice %arg4[%select_n3A_623, %add3A_642, %dma_start3A_649] : memref<50x4096x128xf32, #tpu.memory_space<hbm>> -> memref<1x64x128xf32, #tpu.memory_space<hbm>>
      %dma_start3A_651 = tpu.memref_squeeze %dma_start3A_650 : memref<1x64x128xf32, #tpu.memory_space<hbm>> -> memref<64x128xf32, #tpu.memory_space<hbm>>
      %dma_start3A_652 = arith.constant 0 : i32
      %dma_start3A_653 = tpu.memref_slice %arg4[%select_n3A_623, %add3A_642, %dma_start3A_652] : memref<50x4096x128xf32, #tpu.memory_space<hbm>> -> memref<1x64x128xf32, #tpu.memory_space<hbm>>
      %dma_start3A_654 = tpu.memref_squeeze %dma_start3A_653 : memref<1x64x128xf32, #tpu.memory_space<hbm>> -> memref<64x128xf32, #tpu.memory_space<hbm>>
      %dma_start3A_655 = arith.constant 0 : i32
      %dma_start3A_656 = arith.constant 0 : i32
      %dma_start3A_657 = tpu.memref_slice %arg6[%dma_start3A_643, %dma_start3A_644, %dma_start3A_655, %dma_start3A_656] : memref<2x5x64x128xf32, #tpu.memory_space<vmem>> -> memref<1x1x64x128xf32, #tpu.memory_space<vmem>>
      %dma_start3A_658 = tpu.memref_squeeze %dma_start3A_657 : memref<1x1x64x128xf32, #tpu.memory_space<vmem>> -> memref<64x128xf32, #tpu.memory_space<vmem>>
      tpu.enqueue_dma source(%dma_start3A_658 : memref<64x128xf32, #tpu.memory_space<vmem>>) target(%dma_start3A_654 : memref<64x128xf32, #tpu.memory_space<hbm>>) target_semaphore(%arg9 : memref<!tpu.dma_semaphore, #tpu.memory_space<semaphore_mem>>)
      %mul3A_659 = arith.constant 5 : i32
      %mul3A_660 = arith.muli %mul3A_158, %mul3A_659 : i32
      %add3A_661 = arith.constant 2 : i32
      %add3A_662 = arith.addi %mul3A_660, %add3A_661 : i32
      %jit3A_663 = arith.constant 2 : i32
      %div3A_664 = arith.divsi %add3A_662, %jit3A_663 : i32
      %sign3A_665 = arith.constant 0 : i32
      %sign3A_666 = arith.cmpi sgt, %add3A_662, %sign3A_665 : i32
      %sign3A_667 = arith.extui %sign3A_666 : i1 to i32
      %sign3A_668 = arith.constant 0 : i32
      %sign3A_669 = arith.cmpi slt, %add3A_662, %sign3A_668 : i32
      %sign3A_670 = arith.extui %sign3A_669 : i1 to i32
      %sign3A_671 = arith.subi %sign3A_667, %sign3A_670 : i32
      %sign3A_672 = arith.constant 0 : i32
      %sign3A_673 = arith.cmpi sgt, %jit3A_663, %sign3A_672 : i32
      %sign3A_674 = arith.extui %sign3A_673 : i1 to i32
      %sign3A_675 = arith.constant 0 : i32
      %sign3A_676 = arith.cmpi slt, %jit3A_663, %sign3A_675 : i32
      %sign3A_677 = arith.extui %sign3A_676 : i1 to i32
      %sign3A_678 = arith.subi %sign3A_674, %sign3A_677 : i32
      %ne3A_679 = arith.cmpi ne, %sign3A_671, %sign3A_678 : i32
      %rem3A_680 = arith.remsi %add3A_662, %jit3A_663 : i32
      %ne3A_681 = arith.constant 0 : i32
      %ne3A_682 = arith.cmpi ne, %rem3A_680, %ne3A_681 : i32
      %and3A_683 = arith.andi %ne3A_679, %ne3A_682 : i1
      %sub3A_684 = arith.constant 1 : i32
      %sub3A_685 = arith.subi %div3A_664, %sub3A_684 : i32
      %select_n3A_686 = arith.select %and3A_683, %sub3A_685, %div3A_664 : i32
      %jit3A_687 = arith.constant 2 : i32
      %eq3A_688 = arith.constant 0 : i32
      %eq3A_689 = arith.cmpi eq, %jit3A_687, %eq3A_688 : i32
      %jit3A_690 = arith.constant 1 : i32
      %select_n3A_691 = arith.select %eq3A_689, %jit3A_690, %jit3A_687 : i32
      %rem3A_692 = arith.remsi %add3A_662, %select_n3A_691 : i32
      %ne3A_693 = arith.constant 0 : i32
      %ne3A_694 = arith.cmpi ne, %rem3A_692, %ne3A_693 : i32
      %lt3A_695 = arith.constant 0 : i32
      %lt3A_696 = arith.cmpi slt, %rem3A_692, %lt3A_695 : i32
      %lt3A_697 = arith.constant 0 : i32
      %lt3A_698 = arith.cmpi slt, %select_n3A_691, %lt3A_697 : i32
      %ne3A_699 = arith.xori %lt3A_696, %lt3A_698 : i1
      %and3A_700 = arith.andi %ne3A_699, %ne3A_694 : i1
      %add3A_701 = arith.addi %rem3A_692, %select_n3A_691 : i32
      %select_n3A_702 = arith.select %and3A_700, %add3A_701, %rem3A_692 : i32
      %mul3A_703 = arith.constant 64 : i32
      %mul3A_704 = arith.muli %select_n3A_702, %mul3A_703 : i32
      %add3A_705 = arith.addi %mul3A_2, %mul3A_704 : i32
      %dma_start3A_706 = arith.constant 0 : i32
      %dma_start3A_707 = arith.constant 2 : i32
      %dma_start3A_708 = arith.constant 0 : i32
      %dma_start3A_709 = arith.constant 0 : i32
      %dma_start3A_710 = tpu.memref_slice %arg6[%dma_start3A_706, %dma_start3A_707, %dma_start3A_708, %dma_start3A_709] : memref<2x5x64x128xf32, #tpu.memory_space<vmem>> -> memref<1x1x64x128xf32, #tpu.memory_space<vmem>>
      %dma_start3A_711 = tpu.memref_squeeze %dma_start3A_710 : memref<1x1x64x128xf32, #tpu.memory_space<vmem>> -> memref<64x128xf32, #tpu.memory_space<vmem>>
      %dma_start3A_712 = arith.constant 0 : i32
      %dma_start3A_713 = tpu.memref_slice %arg4[%select_n3A_686, %add3A_705, %dma_start3A_712] : memref<50x4096x128xf32, #tpu.memory_space<hbm>> -> memref<1x64x128xf32, #tpu.memory_space<hbm>>
      %dma_start3A_714 = tpu.memref_squeeze %dma_start3A_713 : memref<1x64x128xf32, #tpu.memory_space<hbm>> -> memref<64x128xf32, #tpu.memory_space<hbm>>
      %dma_start3A_715 = arith.constant 0 : i32
      %dma_start3A_716 = tpu.memref_slice %arg4[%select_n3A_686, %add3A_705, %dma_start3A_715] : memref<50x4096x128xf32, #tpu.memory_space<hbm>> -> memref<1x64x128xf32, #tpu.memory_space<hbm>>
      %dma_start3A_717 = tpu.memref_squeeze %dma_start3A_716 : memref<1x64x128xf32, #tpu.memory_space<hbm>> -> memref<64x128xf32, #tpu.memory_space<hbm>>
      %dma_start3A_718 = arith.constant 0 : i32
      %dma_start3A_719 = arith.constant 0 : i32
      %dma_start3A_720 = tpu.memref_slice %arg6[%dma_start3A_706, %dma_start3A_707, %dma_start3A_718, %dma_start3A_719] : memref<2x5x64x128xf32, #tpu.memory_space<vmem>> -> memref<1x1x64x128xf32, #tpu.memory_space<vmem>>
      %dma_start3A_721 = tpu.memref_squeeze %dma_start3A_720 : memref<1x1x64x128xf32, #tpu.memory_space<vmem>> -> memref<64x128xf32, #tpu.memory_space<vmem>>
      tpu.enqueue_dma source(%dma_start3A_721 : memref<64x128xf32, #tpu.memory_space<vmem>>) target(%dma_start3A_717 : memref<64x128xf32, #tpu.memory_space<hbm>>) target_semaphore(%arg9 : memref<!tpu.dma_semaphore, #tpu.memory_space<semaphore_mem>>)
      %mul3A_722 = arith.constant 5 : i32
      %mul3A_723 = arith.muli %mul3A_158, %mul3A_722 : i32
      %add3A_724 = arith.constant 3 : i32
      %add3A_725 = arith.addi %mul3A_723, %add3A_724 : i32
      %jit3A_726 = arith.constant 2 : i32
      %div3A_727 = arith.divsi %add3A_725, %jit3A_726 : i32
      %sign3A_728 = arith.constant 0 : i32
      %sign3A_729 = arith.cmpi sgt, %add3A_725, %sign3A_728 : i32
      %sign3A_730 = arith.extui %sign3A_729 : i1 to i32
      %sign3A_731 = arith.constant 0 : i32
      %sign3A_732 = arith.cmpi slt, %add3A_725, %sign3A_731 : i32
      %sign3A_733 = arith.extui %sign3A_732 : i1 to i32
      %sign3A_734 = arith.subi %sign3A_730, %sign3A_733 : i32
      %sign3A_735 = arith.constant 0 : i32
      %sign3A_736 = arith.cmpi sgt, %jit3A_726, %sign3A_735 : i32
      %sign3A_737 = arith.extui %sign3A_736 : i1 to i32
      %sign3A_738 = arith.constant 0 : i32
      %sign3A_739 = arith.cmpi slt, %jit3A_726, %sign3A_738 : i32
      %sign3A_740 = arith.extui %sign3A_739 : i1 to i32
      %sign3A_741 = arith.subi %sign3A_737, %sign3A_740 : i32
      %ne3A_742 = arith.cmpi ne, %sign3A_734, %sign3A_741 : i32
      %rem3A_743 = arith.remsi %add3A_725, %jit3A_726 : i32
      %ne3A_744 = arith.constant 0 : i32
      %ne3A_745 = arith.cmpi ne, %rem3A_743, %ne3A_744 : i32
      %and3A_746 = arith.andi %ne3A_742, %ne3A_745 : i1
      %sub3A_747 = arith.constant 1 : i32
      %sub3A_748 = arith.subi %div3A_727, %sub3A_747 : i32
      %select_n3A_749 = arith.select %and3A_746, %sub3A_748, %div3A_727 : i32
      %jit3A_750 = arith.constant 2 : i32
      %eq3A_751 = arith.constant 0 : i32
      %eq3A_752 = arith.cmpi eq, %jit3A_750, %eq3A_751 : i32
      %jit3A_753 = arith.constant 1 : i32
      %select_n3A_754 = arith.select %eq3A_752, %jit3A_753, %jit3A_750 : i32
      %rem3A_755 = arith.remsi %add3A_725, %select_n3A_754 : i32
      %ne3A_756 = arith.constant 0 : i32
      %ne3A_757 = arith.cmpi ne, %rem3A_755, %ne3A_756 : i32
      %lt3A_758 = arith.constant 0 : i32
      %lt3A_759 = arith.cmpi slt, %rem3A_755, %lt3A_758 : i32
      %lt3A_760 = arith.constant 0 : i32
      %lt3A_761 = arith.cmpi slt, %select_n3A_754, %lt3A_760 : i32
      %ne3A_762 = arith.xori %lt3A_759, %lt3A_761 : i1
      %and3A_763 = arith.andi %ne3A_762, %ne3A_757 : i1
      %add3A_764 = arith.addi %rem3A_755, %select_n3A_754 : i32
      %select_n3A_765 = arith.select %and3A_763, %add3A_764, %rem3A_755 : i32
      %mul3A_766 = arith.constant 64 : i32
      %mul3A_767 = arith.muli %select_n3A_765, %mul3A_766 : i32
      %add3A_768 = arith.addi %mul3A_2, %mul3A_767 : i32
      %dma_start3A_769 = arith.constant 0 : i32
      %dma_start3A_770 = arith.constant 3 : i32
      %dma_start3A_771 = arith.constant 0 : i32
      %dma_start3A_772 = arith.constant 0 : i32
      %dma_start3A_773 = tpu.memref_slice %arg6[%dma_start3A_769, %dma_start3A_770, %dma_start3A_771, %dma_start3A_772] : memref<2x5x64x128xf32, #tpu.memory_space<vmem>> -> memref<1x1x64x128xf32, #tpu.memory_space<vmem>>
      %dma_start3A_774 = tpu.memref_squeeze %dma_start3A_773 : memref<1x1x64x128xf32, #tpu.memory_space<vmem>> -> memref<64x128xf32, #tpu.memory_space<vmem>>
      %dma_start3A_775 = arith.constant 0 : i32
      %dma_start3A_776 = tpu.memref_slice %arg4[%select_n3A_749, %add3A_768, %dma_start3A_775] : memref<50x4096x128xf32, #tpu.memory_space<hbm>> -> memref<1x64x128xf32, #tpu.memory_space<hbm>>
      %dma_start3A_777 = tpu.memref_squeeze %dma_start3A_776 : memref<1x64x128xf32, #tpu.memory_space<hbm>> -> memref<64x128xf32, #tpu.memory_space<hbm>>
      %dma_start3A_778 = arith.constant 0 : i32
      %dma_start3A_779 = tpu.memref_slice %arg4[%select_n3A_749, %add3A_768, %dma_start3A_778] : memref<50x4096x128xf32, #tpu.memory_space<hbm>> -> memref<1x64x128xf32, #tpu.memory_space<hbm>>
      %dma_start3A_780 = tpu.memref_squeeze %dma_start3A_779 : memref<1x64x128xf32, #tpu.memory_space<hbm>> -> memref<64x128xf32, #tpu.memory_space<hbm>>
      %dma_start3A_781 = arith.constant 0 : i32
      %dma_start3A_782 = arith.constant 0 : i32
      %dma_start3A_783 = tpu.memref_slice %arg6[%dma_start3A_769, %dma_start3A_770, %dma_start3A_781, %dma_start3A_782] : memref<2x5x64x128xf32, #tpu.memory_space<vmem>> -> memref<1x1x64x128xf32, #tpu.memory_space<vmem>>
      %dma_start3A_784 = tpu.memref_squeeze %dma_start3A_783 : memref<1x1x64x128xf32, #tpu.memory_space<vmem>> -> memref<64x128xf32, #tpu.memory_space<vmem>>
      tpu.enqueue_dma source(%dma_start3A_784 : memref<64x128xf32, #tpu.memory_space<vmem>>) target(%dma_start3A_780 : memref<64x128xf32, #tpu.memory_space<hbm>>) target_semaphore(%arg9 : memref<!tpu.dma_semaphore, #tpu.memory_space<semaphore_mem>>)
      %mul3A_785 = arith.constant 5 : i32
      %mul3A_786 = arith.muli %mul3A_158, %mul3A_785 : i32
      %add3A_787 = arith.constant 4 : i32
      %add3A_788 = arith.addi %mul3A_786, %add3A_787 : i32
      %jit3A_789 = arith.constant 2 : i32
      %div3A_790 = arith.divsi %add3A_788, %jit3A_789 : i32
      %sign3A_791 = arith.constant 0 : i32
      %sign3A_792 = arith.cmpi sgt, %add3A_788, %sign3A_791 : i32
      %sign3A_793 = arith.extui %sign3A_792 : i1 to i32
      %sign3A_794 = arith.constant 0 : i32
      %sign3A_795 = arith.cmpi slt, %add3A_788, %sign3A_794 : i32
      %sign3A_796 = arith.extui %sign3A_795 : i1 to i32
      %sign3A_797 = arith.subi %sign3A_793, %sign3A_796 : i32
      %sign3A_798 = arith.constant 0 : i32
      %sign3A_799 = arith.cmpi sgt, %jit3A_789, %sign3A_798 : i32
      %sign3A_800 = arith.extui %sign3A_799 : i1 to i32
      %sign3A_801 = arith.constant 0 : i32
      %sign3A_802 = arith.cmpi slt, %jit3A_789, %sign3A_801 : i32
      %sign3A_803 = arith.extui %sign3A_802 : i1 to i32
      %sign3A_804 = arith.subi %sign3A_800, %sign3A_803 : i32
      %ne3A_805 = arith.cmpi ne, %sign3A_797, %sign3A_804 : i32
      %rem3A_806 = arith.remsi %add3A_788, %jit3A_789 : i32
      %ne3A_807 = arith.constant 0 : i32
      %ne3A_808 = arith.cmpi ne, %rem3A_806, %ne3A_807 : i32
      %and3A_809 = arith.andi %ne3A_805, %ne3A_808 : i1
      %sub3A_810 = arith.constant 1 : i32
      %sub3A_811 = arith.subi %div3A_790, %sub3A_810 : i32
      %select_n3A_812 = arith.select %and3A_809, %sub3A_811, %div3A_790 : i32
      %jit3A_813 = arith.constant 2 : i32
      %eq3A_814 = arith.constant 0 : i32
      %eq3A_815 = arith.cmpi eq, %jit3A_813, %eq3A_814 : i32
      %jit3A_816 = arith.constant 1 : i32
      %select_n3A_817 = arith.select %eq3A_815, %jit3A_816, %jit3A_813 : i32
      %rem3A_818 = arith.remsi %add3A_788, %select_n3A_817 : i32
      %ne3A_819 = arith.constant 0 : i32
      %ne3A_820 = arith.cmpi ne, %rem3A_818, %ne3A_819 : i32
      %lt3A_821 = arith.constant 0 : i32
      %lt3A_822 = arith.cmpi slt, %rem3A_818, %lt3A_821 : i32
      %lt3A_823 = arith.constant 0 : i32
      %lt3A_824 = arith.cmpi slt, %select_n3A_817, %lt3A_823 : i32
      %ne3A_825 = arith.xori %lt3A_822, %lt3A_824 : i1
      %and3A_826 = arith.andi %ne3A_825, %ne3A_820 : i1
      %add3A_827 = arith.addi %rem3A_818, %select_n3A_817 : i32
      %select_n3A_828 = arith.select %and3A_826, %add3A_827, %rem3A_818 : i32
      %mul3A_829 = arith.constant 64 : i32
      %mul3A_830 = arith.muli %select_n3A_828, %mul3A_829 : i32
      %add3A_831 = arith.addi %mul3A_2, %mul3A_830 : i32
      %dma_start3A_832 = arith.constant 0 : i32
      %dma_start3A_833 = arith.constant 4 : i32
      %dma_start3A_834 = arith.constant 0 : i32
      %dma_start3A_835 = arith.constant 0 : i32
      %dma_start3A_836 = tpu.memref_slice %arg6[%dma_start3A_832, %dma_start3A_833, %dma_start3A_834, %dma_start3A_835] : memref<2x5x64x128xf32, #tpu.memory_space<vmem>> -> memref<1x1x64x128xf32, #tpu.memory_space<vmem>>
      %dma_start3A_837 = tpu.memref_squeeze %dma_start3A_836 : memref<1x1x64x128xf32, #tpu.memory_space<vmem>> -> memref<64x128xf32, #tpu.memory_space<vmem>>
      %dma_start3A_838 = arith.constant 0 : i32
      %dma_start3A_839 = tpu.memref_slice %arg4[%select_n3A_812, %add3A_831, %dma_start3A_838] : memref<50x4096x128xf32, #tpu.memory_space<hbm>> -> memref<1x64x128xf32, #tpu.memory_space<hbm>>
      %dma_start3A_840 = tpu.memref_squeeze %dma_start3A_839 : memref<1x64x128xf32, #tpu.memory_space<hbm>> -> memref<64x128xf32, #tpu.memory_space<hbm>>
      %dma_start3A_841 = arith.constant 0 : i32
      %dma_start3A_842 = tpu.memref_slice %arg4[%select_n3A_812, %add3A_831, %dma_start3A_841] : memref<50x4096x128xf32, #tpu.memory_space<hbm>> -> memref<1x64x128xf32, #tpu.memory_space<hbm>>
      %dma_start3A_843 = tpu.memref_squeeze %dma_start3A_842 : memref<1x64x128xf32, #tpu.memory_space<hbm>> -> memref<64x128xf32, #tpu.memory_space<hbm>>
      %dma_start3A_844 = arith.constant 0 : i32
      %dma_start3A_845 = arith.constant 0 : i32
      %dma_start3A_846 = tpu.memref_slice %arg6[%dma_start3A_832, %dma_start3A_833, %dma_start3A_844, %dma_start3A_845] : memref<2x5x64x128xf32, #tpu.memory_space<vmem>> -> memref<1x1x64x128xf32, #tpu.memory_space<vmem>>
      %dma_start3A_847 = tpu.memref_squeeze %dma_start3A_846 : memref<1x1x64x128xf32, #tpu.memory_space<vmem>> -> memref<64x128xf32, #tpu.memory_space<vmem>>
      tpu.enqueue_dma source(%dma_start3A_847 : memref<64x128xf32, #tpu.memory_space<vmem>>) target(%dma_start3A_843 : memref<64x128xf32, #tpu.memory_space<hbm>>) target_semaphore(%arg9 : memref<!tpu.dma_semaphore, #tpu.memory_space<semaphore_mem>>)
      %mul3A_848 = arith.constant 2 : i32
      %mul3A_849 = arith.muli %mul3A_848, %scan3A_156 : i32
      %add3A_850 = arith.constant 1 : i32
      %add3A_851 = arith.addi %mul3A_849, %add3A_850 : i32
      %eq3A_852 = arith.constant 9 : i32
      %eq3A_853 = arith.cmpi eq, %scan3A_156, %eq3A_852 : i32
      %dma_wait3A_854 = arith.constant 0 : i32
      %dma_wait3A_855 = arith.constant 0 : i32
      %dma_wait3A_856 = arith.constant 0 : i32
      %dma_wait3A_857 = arith.constant 0 : i32
      %dma_wait3A_858 = arith.constant 0 : i32
      %dma_wait3A_859 = tpu.memref_slice %arg6[%dma_wait3A_854, %dma_wait3A_855, %dma_wait3A_857, %dma_wait3A_858] : memref<2x5x64x128xf32, #tpu.memory_space<vmem>> -> memref<1x1x64x128xf32, #tpu.memory_space<vmem>>
      %dma_wait3A_860 = tpu.memref_squeeze %dma_wait3A_859 : memref<1x1x64x128xf32, #tpu.memory_space<vmem>> -> memref<64x128xf32, #tpu.memory_space<vmem>>
      %dma_wait3A_861 = arith.constant 0 : i32
      %dma_wait3A_862 = tpu.memref_slice %arg4[%dma_wait3A_856, %mul3A_2, %dma_wait3A_861] : memref<50x4096x128xf32, #tpu.memory_space<hbm>> -> memref<1x64x128xf32, #tpu.memory_space<hbm>>
      %dma_wait3A_863 = tpu.memref_squeeze %dma_wait3A_862 : memref<1x64x128xf32, #tpu.memory_space<hbm>> -> memref<64x128xf32, #tpu.memory_space<hbm>>
      %dma_wait3A_864 = arith.constant 0 : i32
      %dma_wait3A_865 = tpu.memref_slice %arg4[%dma_wait3A_856, %mul3A_2, %dma_wait3A_864] : memref<50x4096x128xf32, #tpu.memory_space<hbm>> -> memref<1x64x128xf32, #tpu.memory_space<hbm>>
      %dma_wait3A_866 = tpu.memref_squeeze %dma_wait3A_865 : memref<1x64x128xf32, #tpu.memory_space<hbm>> -> memref<64x128xf32, #tpu.memory_space<hbm>>
      %dma_wait3A_867 = arith.constant 0 : i32
      %dma_wait3A_868 = arith.constant 0 : i32
      %dma_wait3A_869 = tpu.memref_slice %arg6[%dma_wait3A_854, %dma_wait3A_855, %dma_wait3A_867, %dma_wait3A_868] : memref<2x5x64x128xf32, #tpu.memory_space<vmem>> -> memref<1x1x64x128xf32, #tpu.memory_space<vmem>>
      %dma_wait3A_870 = tpu.memref_squeeze %dma_wait3A_869 : memref<1x1x64x128xf32, #tpu.memory_space<vmem>> -> memref<64x128xf32, #tpu.memory_space<vmem>>
      tpu.wait_dma2 semaphore(%arg9 : memref<!tpu.dma_semaphore, #tpu.memory_space<semaphore_mem>>) src(%dma_wait3A_870 : memref<64x128xf32, #tpu.memory_space<vmem>>) dst(%dma_wait3A_866 : memref<64x128xf32, #tpu.memory_space<hbm>>)
      %dma_wait3A_871 = arith.constant 0 : i32
      %dma_wait3A_872 = arith.constant 1 : i32
      %dma_wait3A_873 = arith.constant 0 : i32
      %dma_wait3A_874 = arith.constant 0 : i32
      %dma_wait3A_875 = arith.constant 0 : i32
      %dma_wait3A_876 = tpu.memref_slice %arg6[%dma_wait3A_871, %dma_wait3A_872, %dma_wait3A_874, %dma_wait3A_875] : memref<2x5x64x128xf32, #tpu.memory_space<vmem>> -> memref<1x1x64x128xf32, #tpu.memory_space<vmem>>
      %dma_wait3A_877 = tpu.memref_squeeze %dma_wait3A_876 : memref<1x1x64x128xf32, #tpu.memory_space<vmem>> -> memref<64x128xf32, #tpu.memory_space<vmem>>
      %dma_wait3A_878 = arith.constant 0 : i32
      %dma_wait3A_879 = tpu.memref_slice %arg4[%dma_wait3A_873, %mul3A_2, %dma_wait3A_878] : memref<50x4096x128xf32, #tpu.memory_space<hbm>> -> memref<1x64x128xf32, #tpu.memory_space<hbm>>
      %dma_wait3A_880 = tpu.memref_squeeze %dma_wait3A_879 : memref<1x64x128xf32, #tpu.memory_space<hbm>> -> memref<64x128xf32, #tpu.memory_space<hbm>>
      %dma_wait3A_881 = arith.constant 0 : i32
      %dma_wait3A_882 = tpu.memref_slice %arg4[%dma_wait3A_873, %mul3A_2, %dma_wait3A_881] : memref<50x4096x128xf32, #tpu.memory_space<hbm>> -> memref<1x64x128xf32, #tpu.memory_space<hbm>>
      %dma_wait3A_883 = tpu.memref_squeeze %dma_wait3A_882 : memref<1x64x128xf32, #tpu.memory_space<hbm>> -> memref<64x128xf32, #tpu.memory_space<hbm>>
      %dma_wait3A_884 = arith.constant 0 : i32
      %dma_wait3A_885 = arith.constant 0 : i32
      %dma_wait3A_886 = tpu.memref_slice %arg6[%dma_wait3A_871, %dma_wait3A_872, %dma_wait3A_884, %dma_wait3A_885] : memref<2x5x64x128xf32, #tpu.memory_space<vmem>> -> memref<1x1x64x128xf32, #tpu.memory_space<vmem>>
      %dma_wait3A_887 = tpu.memref_squeeze %dma_wait3A_886 : memref<1x1x64x128xf32, #tpu.memory_space<vmem>> -> memref<64x128xf32, #tpu.memory_space<vmem>>
      tpu.wait_dma2 semaphore(%arg9 : memref<!tpu.dma_semaphore, #tpu.memory_space<semaphore_mem>>) src(%dma_wait3A_887 : memref<64x128xf32, #tpu.memory_space<vmem>>) dst(%dma_wait3A_883 : memref<64x128xf32, #tpu.memory_space<hbm>>)
      %dma_wait3A_888 = arith.constant 0 : i32
      %dma_wait3A_889 = arith.constant 2 : i32
      %dma_wait3A_890 = arith.constant 0 : i32
      %dma_wait3A_891 = arith.constant 0 : i32
      %dma_wait3A_892 = arith.constant 0 : i32
      %dma_wait3A_893 = tpu.memref_slice %arg6[%dma_wait3A_888, %dma_wait3A_889, %dma_wait3A_891, %dma_wait3A_892] : memref<2x5x64x128xf32, #tpu.memory_space<vmem>> -> memref<1x1x64x128xf32, #tpu.memory_space<vmem>>
      %dma_wait3A_894 = tpu.memref_squeeze %dma_wait3A_893 : memref<1x1x64x128xf32, #tpu.memory_space<vmem>> -> memref<64x128xf32, #tpu.memory_space<vmem>>
      %dma_wait3A_895 = arith.constant 0 : i32
      %dma_wait3A_896 = tpu.memref_slice %arg4[%dma_wait3A_890, %mul3A_2, %dma_wait3A_895] : memref<50x4096x128xf32, #tpu.memory_space<hbm>> -> memref<1x64x128xf32, #tpu.memory_space<hbm>>
      %dma_wait3A_897 = tpu.memref_squeeze %dma_wait3A_896 : memref<1x64x128xf32, #tpu.memory_space<hbm>> -> memref<64x128xf32, #tpu.memory_space<hbm>>
      %dma_wait3A_898 = arith.constant 0 : i32
      %dma_wait3A_899 = tpu.memref_slice %arg4[%dma_wait3A_890, %mul3A_2, %dma_wait3A_898] : memref<50x4096x128xf32, #tpu.memory_space<hbm>> -> memref<1x64x128xf32, #tpu.memory_space<hbm>>
      %dma_wait3A_900 = tpu.memref_squeeze %dma_wait3A_899 : memref<1x64x128xf32, #tpu.memory_space<hbm>> -> memref<64x128xf32, #tpu.memory_space<hbm>>
      %dma_wait3A_901 = arith.constant 0 : i32
      %dma_wait3A_902 = arith.constant 0 : i32
      %dma_wait3A_903 = tpu.memref_slice %arg6[%dma_wait3A_888, %dma_wait3A_889, %dma_wait3A_901, %dma_wait3A_902] : memref<2x5x64x128xf32, #tpu.memory_space<vmem>> -> memref<1x1x64x128xf32, #tpu.memory_space<vmem>>
      %dma_wait3A_904 = tpu.memref_squeeze %dma_wait3A_903 : memref<1x1x64x128xf32, #tpu.memory_space<vmem>> -> memref<64x128xf32, #tpu.memory_space<vmem>>
      tpu.wait_dma2 semaphore(%arg9 : memref<!tpu.dma_semaphore, #tpu.memory_space<semaphore_mem>>) src(%dma_wait3A_904 : memref<64x128xf32, #tpu.memory_space<vmem>>) dst(%dma_wait3A_900 : memref<64x128xf32, #tpu.memory_space<hbm>>)
      %dma_wait3A_905 = arith.constant 0 : i32
      %dma_wait3A_906 = arith.constant 3 : i32
      %dma_wait3A_907 = arith.constant 0 : i32
      %dma_wait3A_908 = arith.constant 0 : i32
      %dma_wait3A_909 = arith.constant 0 : i32
      %dma_wait3A_910 = tpu.memref_slice %arg6[%dma_wait3A_905, %dma_wait3A_906, %dma_wait3A_908, %dma_wait3A_909] : memref<2x5x64x128xf32, #tpu.memory_space<vmem>> -> memref<1x1x64x128xf32, #tpu.memory_space<vmem>>
      %dma_wait3A_911 = tpu.memref_squeeze %dma_wait3A_910 : memref<1x1x64x128xf32, #tpu.memory_space<vmem>> -> memref<64x128xf32, #tpu.memory_space<vmem>>
      %dma_wait3A_912 = arith.constant 0 : i32
      %dma_wait3A_913 = tpu.memref_slice %arg4[%dma_wait3A_907, %mul3A_2, %dma_wait3A_912] : memref<50x4096x128xf32, #tpu.memory_space<hbm>> -> memref<1x64x128xf32, #tpu.memory_space<hbm>>
      %dma_wait3A_914 = tpu.memref_squeeze %dma_wait3A_913 : memref<1x64x128xf32, #tpu.memory_space<hbm>> -> memref<64x128xf32, #tpu.memory_space<hbm>>
      %dma_wait3A_915 = arith.constant 0 : i32
      %dma_wait3A_916 = tpu.memref_slice %arg4[%dma_wait3A_907, %mul3A_2, %dma_wait3A_915] : memref<50x4096x128xf32, #tpu.memory_space<hbm>> -> memref<1x64x128xf32, #tpu.memory_space<hbm>>
      %dma_wait3A_917 = tpu.memref_squeeze %dma_wait3A_916 : memref<1x64x128xf32, #tpu.memory_space<hbm>> -> memref<64x128xf32, #tpu.memory_space<hbm>>
      %dma_wait3A_918 = arith.constant 0 : i32
      %dma_wait3A_919 = arith.constant 0 : i32
      %dma_wait3A_920 = tpu.memref_slice %arg6[%dma_wait3A_905, %dma_wait3A_906, %dma_wait3A_918, %dma_wait3A_919] : memref<2x5x64x128xf32, #tpu.memory_space<vmem>> -> memref<1x1x64x128xf32, #tpu.memory_space<vmem>>
      %dma_wait3A_921 = tpu.memref_squeeze %dma_wait3A_920 : memref<1x1x64x128xf32, #tpu.memory_space<vmem>> -> memref<64x128xf32, #tpu.memory_space<vmem>>
      tpu.wait_dma2 semaphore(%arg9 : memref<!tpu.dma_semaphore, #tpu.memory_space<semaphore_mem>>) src(%dma_wait3A_921 : memref<64x128xf32, #tpu.memory_space<vmem>>) dst(%dma_wait3A_917 : memref<64x128xf32, #tpu.memory_space<hbm>>)
      %dma_wait3A_922 = arith.constant 0 : i32
      %dma_wait3A_923 = arith.constant 4 : i32
      %dma_wait3A_924 = arith.constant 0 : i32
      %dma_wait3A_925 = arith.constant 0 : i32
      %dma_wait3A_926 = arith.constant 0 : i32
      %dma_wait3A_927 = tpu.memref_slice %arg6[%dma_wait3A_922, %dma_wait3A_923, %dma_wait3A_925, %dma_wait3A_926] : memref<2x5x64x128xf32, #tpu.memory_space<vmem>> -> memref<1x1x64x128xf32, #tpu.memory_space<vmem>>
      %dma_wait3A_928 = tpu.memref_squeeze %dma_wait3A_927 : memref<1x1x64x128xf32, #tpu.memory_space<vmem>> -> memref<64x128xf32, #tpu.memory_space<vmem>>
      %dma_wait3A_929 = arith.constant 0 : i32
      %dma_wait3A_930 = tpu.memref_slice %arg4[%dma_wait3A_924, %mul3A_2, %dma_wait3A_929] : memref<50x4096x128xf32, #tpu.memory_space<hbm>> -> memref<1x64x128xf32, #tpu.memory_space<hbm>>
      %dma_wait3A_931 = tpu.memref_squeeze %dma_wait3A_930 : memref<1x64x128xf32, #tpu.memory_space<hbm>> -> memref<64x128xf32, #tpu.memory_space<hbm>>
      %dma_wait3A_932 = arith.constant 0 : i32
      %dma_wait3A_933 = tpu.memref_slice %arg4[%dma_wait3A_924, %mul3A_2, %dma_wait3A_932] : memref<50x4096x128xf32, #tpu.memory_space<hbm>> -> memref<1x64x128xf32, #tpu.memory_space<hbm>>
      %dma_wait3A_934 = tpu.memref_squeeze %dma_wait3A_933 : memref<1x64x128xf32, #tpu.memory_space<hbm>> -> memref<64x128xf32, #tpu.memory_space<hbm>>
      %dma_wait3A_935 = arith.constant 0 : i32
      %dma_wait3A_936 = arith.constant 0 : i32
      %dma_wait3A_937 = tpu.memref_slice %arg6[%dma_wait3A_922, %dma_wait3A_923, %dma_wait3A_935, %dma_wait3A_936] : memref<2x5x64x128xf32, #tpu.memory_space<vmem>> -> memref<1x1x64x128xf32, #tpu.memory_space<vmem>>
      %dma_wait3A_938 = tpu.memref_squeeze %dma_wait3A_937 : memref<1x1x64x128xf32, #tpu.memory_space<vmem>> -> memref<64x128xf32, #tpu.memory_space<vmem>>
      tpu.wait_dma2 semaphore(%arg9 : memref<!tpu.dma_semaphore, #tpu.memory_space<semaphore_mem>>) src(%dma_wait3A_938 : memref<64x128xf32, #tpu.memory_space<vmem>>) dst(%dma_wait3A_934 : memref<64x128xf32, #tpu.memory_space<hbm>>)
      %not3A_939 = arith.constant true
      %not3A_940 = arith.xori %eq3A_853, %not3A_939 : i1
      %convert_element_type3A_941 = arith.extui %not3A_940 : i1 to i32
      %cond3A_942 = arith.constant 0 : i32
      %cond3A_943 = arith.cmpi ne, %convert_element_type3A_941, %cond3A_942 : i32
      scf.if %cond3A_943 {
        %add3A_1344 = arith.constant 1 : i32
        %add3A_1345 = arith.addi %add3A_851, %add3A_1344 : i32
        %mul3A_1346 = arith.constant 5 : i32
        %mul3A_1347 = arith.muli %add3A_1345, %mul3A_1346 : i32
        %add3A_1348 = arith.constant 0 : i32
        %add3A_1349 = arith.addi %mul3A_1347, %add3A_1348 : i32
        %jit3A_1350 = arith.constant 2 : i32
        %div3A_1351 = arith.divsi %add3A_1349, %jit3A_1350 : i32
        %sign3A_1352 = arith.constant 0 : i32
        %sign3A_1353 = arith.cmpi sgt, %add3A_1349, %sign3A_1352 : i32
        %sign3A_1354 = arith.extui %sign3A_1353 : i1 to i32
        %sign3A_1355 = arith.constant 0 : i32
        %sign3A_1356 = arith.cmpi slt, %add3A_1349, %sign3A_1355 : i32
        %sign3A_1357 = arith.extui %sign3A_1356 : i1 to i32
        %sign3A_1358 = arith.subi %sign3A_1354, %sign3A_1357 : i32
        %sign3A_1359 = arith.constant 0 : i32
        %sign3A_1360 = arith.cmpi sgt, %jit3A_1350, %sign3A_1359 : i32
        %sign3A_1361 = arith.extui %sign3A_1360 : i1 to i32
        %sign3A_1362 = arith.constant 0 : i32
        %sign3A_1363 = arith.cmpi slt, %jit3A_1350, %sign3A_1362 : i32
        %sign3A_1364 = arith.extui %sign3A_1363 : i1 to i32
        %sign3A_1365 = arith.subi %sign3A_1361, %sign3A_1364 : i32
        %ne3A_1366 = arith.cmpi ne, %sign3A_1358, %sign3A_1365 : i32
        %rem3A_1367 = arith.remsi %add3A_1349, %jit3A_1350 : i32
        %ne3A_1368 = arith.constant 0 : i32
        %ne3A_1369 = arith.cmpi ne, %rem3A_1367, %ne3A_1368 : i32
        %and3A_1370 = arith.andi %ne3A_1366, %ne3A_1369 : i1
        %sub3A_1371 = arith.constant 1 : i32
        %sub3A_1372 = arith.subi %div3A_1351, %sub3A_1371 : i32
        %select_n3A_1373 = arith.select %and3A_1370, %sub3A_1372, %div3A_1351 : i32
        %jit3A_1374 = arith.constant 2 : i32
        %eq3A_1375 = arith.constant 0 : i32
        %eq3A_1376 = arith.cmpi eq, %jit3A_1374, %eq3A_1375 : i32
        %jit3A_1377 = arith.constant 1 : i32
        %select_n3A_1378 = arith.select %eq3A_1376, %jit3A_1377, %jit3A_1374 : i32
        %rem3A_1379 = arith.remsi %add3A_1349, %select_n3A_1378 : i32
        %ne3A_1380 = arith.constant 0 : i32
        %ne3A_1381 = arith.cmpi ne, %rem3A_1379, %ne3A_1380 : i32
        %lt3A_1382 = arith.constant 0 : i32
        %lt3A_1383 = arith.cmpi slt, %rem3A_1379, %lt3A_1382 : i32
        %lt3A_1384 = arith.constant 0 : i32
        %lt3A_1385 = arith.cmpi slt, %select_n3A_1378, %lt3A_1384 : i32
        %ne3A_1386 = arith.xori %lt3A_1383, %lt3A_1385 : i1
        %and3A_1387 = arith.andi %ne3A_1386, %ne3A_1381 : i1
        %add3A_1388 = arith.addi %rem3A_1379, %select_n3A_1378 : i32
        %select_n3A_1389 = arith.select %and3A_1387, %add3A_1388, %rem3A_1379 : i32
        %mul3A_1390 = arith.constant 64 : i32
        %mul3A_1391 = arith.muli %select_n3A_1389, %mul3A_1390 : i32
        %dma_start3A_1392 = arith.constant 0 : i32
        %dma_start3A_1393 = arith.constant 0 : i32
        %dma_start3A_1394 = arith.constant 0 : i32
        %dma_start3A_1395 = arith.constant 0 : i32
        %dma_start3A_1396 = tpu.memref_slice %arg6[%dma_start3A_1392, %dma_start3A_1393, %dma_start3A_1394, %dma_start3A_1395] : memref<2x5x64x128xf32, #tpu.memory_space<vmem>> -> memref<1x1x64x128xf32, #tpu.memory_space<vmem>>
        %dma_start3A_1397 = tpu.memref_squeeze %dma_start3A_1396 : memref<1x1x64x128xf32, #tpu.memory_space<vmem>> -> memref<64x128xf32, #tpu.memory_space<vmem>>
        %dma_start3A_1398 = tpu.memref_slice %arg5[%select_n3A_1373, %mul3A_1391] : memref<50x128xi32, #tpu.memory_space<vmem>> -> memref<1x64xi32, #tpu.memory_space<vmem>>
        %dma_start3A_1399 = tpu.memref_squeeze %dma_start3A_1398 : memref<1x64xi32, #tpu.memory_space<vmem>> -> memref<64xi32, #tpu.memory_space<vmem>>
        %dma_start3A_1400 = arith.constant 0 : i32
        %dma_start3A_1401 = arith.constant 0 : i32
        %dma_start3A_1402 = tpu.memref_slice %arg2[%dma_start3A_1400, %dma_start3A_1401] : memref<100000x128xf32, #tpu.memory_space<hbm>> -> memref<100000x128xf32, #tpu.memory_space<hbm>>
        tpu.enqueue_indirect_dma source(%dma_start3A_1402 : memref<100000x128xf32, #tpu.memory_space<hbm>>) target(%dma_start3A_1397 : memref<64x128xf32, #tpu.memory_space<vmem>>) offsets(%dma_start3A_1399 : memref<64xi32, #tpu.memory_space<vmem>>) semaphore(%arg7 : memref<!tpu.dma_semaphore, #tpu.memory_space<semaphore_mem>>)
        %add3A_1403 = arith.constant 1 : i32
        %add3A_1404 = arith.addi %add3A_851, %add3A_1403 : i32
        %mul3A_1405 = arith.constant 5 : i32
        %mul3A_1406 = arith.muli %add3A_1404, %mul3A_1405 : i32
        %add3A_1407 = arith.constant 1 : i32
        %add3A_1408 = arith.addi %mul3A_1406, %add3A_1407 : i32
        %jit3A_1409 = arith.constant 2 : i32
        %div3A_1410 = arith.divsi %add3A_1408, %jit3A_1409 : i32
        %sign3A_1411 = arith.constant 0 : i32
        %sign3A_1412 = arith.cmpi sgt, %add3A_1408, %sign3A_1411 : i32
        %sign3A_1413 = arith.extui %sign3A_1412 : i1 to i32
        %sign3A_1414 = arith.constant 0 : i32
        %sign3A_1415 = arith.cmpi slt, %add3A_1408, %sign3A_1414 : i32
        %sign3A_1416 = arith.extui %sign3A_1415 : i1 to i32
        %sign3A_1417 = arith.subi %sign3A_1413, %sign3A_1416 : i32
        %sign3A_1418 = arith.constant 0 : i32
        %sign3A_1419 = arith.cmpi sgt, %jit3A_1409, %sign3A_1418 : i32
        %sign3A_1420 = arith.extui %sign3A_1419 : i1 to i32
        %sign3A_1421 = arith.constant 0 : i32
        %sign3A_1422 = arith.cmpi slt, %jit3A_1409, %sign3A_1421 : i32
        %sign3A_1423 = arith.extui %sign3A_1422 : i1 to i32
        %sign3A_1424 = arith.subi %sign3A_1420, %sign3A_1423 : i32
        %ne3A_1425 = arith.cmpi ne, %sign3A_1417, %sign3A_1424 : i32
        %rem3A_1426 = arith.remsi %add3A_1408, %jit3A_1409 : i32
        %ne3A_1427 = arith.constant 0 : i32
        %ne3A_1428 = arith.cmpi ne, %rem3A_1426, %ne3A_1427 : i32
        %and3A_1429 = arith.andi %ne3A_1425, %ne3A_1428 : i1
        %sub3A_1430 = arith.constant 1 : i32
        %sub3A_1431 = arith.subi %div3A_1410, %sub3A_1430 : i32
        %select_n3A_1432 = arith.select %and3A_1429, %sub3A_1431, %div3A_1410 : i32
        %jit3A_1433 = arith.constant 2 : i32
        %eq3A_1434 = arith.constant 0 : i32
        %eq3A_1435 = arith.cmpi eq, %jit3A_1433, %eq3A_1434 : i32
        %jit3A_1436 = arith.constant 1 : i32
        %select_n3A_1437 = arith.select %eq3A_1435, %jit3A_1436, %jit3A_1433 : i32
        %rem3A_1438 = arith.remsi %add3A_1408, %select_n3A_1437 : i32
        %ne3A_1439 = arith.constant 0 : i32
        %ne3A_1440 = arith.cmpi ne, %rem3A_1438, %ne3A_1439 : i32
        %lt3A_1441 = arith.constant 0 : i32
        %lt3A_1442 = arith.cmpi slt, %rem3A_1438, %lt3A_1441 : i32
        %lt3A_1443 = arith.constant 0 : i32
        %lt3A_1444 = arith.cmpi slt, %select_n3A_1437, %lt3A_1443 : i32
        %ne3A_1445 = arith.xori %lt3A_1442, %lt3A_1444 : i1
        %and3A_1446 = arith.andi %ne3A_1445, %ne3A_1440 : i1
        %add3A_1447 = arith.addi %rem3A_1438, %select_n3A_1437 : i32
        %select_n3A_1448 = arith.select %and3A_1446, %add3A_1447, %rem3A_1438 : i32
        %mul3A_1449 = arith.constant 64 : i32
        %mul3A_1450 = arith.muli %select_n3A_1448, %mul3A_1449 : i32
        %dma_start3A_1451 = arith.constant 0 : i32
        %dma_start3A_1452 = arith.constant 1 : i32
        %dma_start3A_1453 = arith.constant 0 : i32
        %dma_start3A_1454 = arith.constant 0 : i32
        %dma_start3A_1455 = tpu.memref_slice %arg6[%dma_start3A_1451, %dma_start3A_1452, %dma_start3A_1453, %dma_start3A_1454] : memref<2x5x64x128xf32, #tpu.memory_space<vmem>> -> memref<1x1x64x128xf32, #tpu.memory_space<vmem>>
        %dma_start3A_1456 = tpu.memref_squeeze %dma_start3A_1455 : memref<1x1x64x128xf32, #tpu.memory_space<vmem>> -> memref<64x128xf32, #tpu.memory_space<vmem>>
        %dma_start3A_1457 = tpu.memref_slice %arg5[%select_n3A_1432, %mul3A_1450] : memref<50x128xi32, #tpu.memory_space<vmem>> -> memref<1x64xi32, #tpu.memory_space<vmem>>
        %dma_start3A_1458 = tpu.memref_squeeze %dma_start3A_1457 : memref<1x64xi32, #tpu.memory_space<vmem>> -> memref<64xi32, #tpu.memory_space<vmem>>
        %dma_start3A_1459 = arith.constant 0 : i32
        %dma_start3A_1460 = arith.constant 0 : i32
        %dma_start3A_1461 = tpu.memref_slice %arg2[%dma_start3A_1459, %dma_start3A_1460] : memref<100000x128xf32, #tpu.memory_space<hbm>> -> memref<100000x128xf32, #tpu.memory_space<hbm>>
        tpu.enqueue_indirect_dma source(%dma_start3A_1461 : memref<100000x128xf32, #tpu.memory_space<hbm>>) target(%dma_start3A_1456 : memref<64x128xf32, #tpu.memory_space<vmem>>) offsets(%dma_start3A_1458 : memref<64xi32, #tpu.memory_space<vmem>>) semaphore(%arg7 : memref<!tpu.dma_semaphore, #tpu.memory_space<semaphore_mem>>)
        %add3A_1462 = arith.constant 1 : i32
        %add3A_1463 = arith.addi %add3A_851, %add3A_1462 : i32
        %mul3A_1464 = arith.constant 5 : i32
        %mul3A_1465 = arith.muli %add3A_1463, %mul3A_1464 : i32
        %add3A_1466 = arith.constant 2 : i32
        %add3A_1467 = arith.addi %mul3A_1465, %add3A_1466 : i32
        %jit3A_1468 = arith.constant 2 : i32
        %div3A_1469 = arith.divsi %add3A_1467, %jit3A_1468 : i32
        %sign3A_1470 = arith.constant 0 : i32
        %sign3A_1471 = arith.cmpi sgt, %add3A_1467, %sign3A_1470 : i32
        %sign3A_1472 = arith.extui %sign3A_1471 : i1 to i32
        %sign3A_1473 = arith.constant 0 : i32
        %sign3A_1474 = arith.cmpi slt, %add3A_1467, %sign3A_1473 : i32
        %sign3A_1475 = arith.extui %sign3A_1474 : i1 to i32
        %sign3A_1476 = arith.subi %sign3A_1472, %sign3A_1475 : i32
        %sign3A_1477 = arith.constant 0 : i32
        %sign3A_1478 = arith.cmpi sgt, %jit3A_1468, %sign3A_1477 : i32
        %sign3A_1479 = arith.extui %sign3A_1478 : i1 to i32
        %sign3A_1480 = arith.constant 0 : i32
        %sign3A_1481 = arith.cmpi slt, %jit3A_1468, %sign3A_1480 : i32
        %sign3A_1482 = arith.extui %sign3A_1481 : i1 to i32
        %sign3A_1483 = arith.subi %sign3A_1479, %sign3A_1482 : i32
        %ne3A_1484 = arith.cmpi ne, %sign3A_1476, %sign3A_1483 : i32
        %rem3A_1485 = arith.remsi %add3A_1467, %jit3A_1468 : i32
        %ne3A_1486 = arith.constant 0 : i32
        %ne3A_1487 = arith.cmpi ne, %rem3A_1485, %ne3A_1486 : i32
        %and3A_1488 = arith.andi %ne3A_1484, %ne3A_1487 : i1
        %sub3A_1489 = arith.constant 1 : i32
        %sub3A_1490 = arith.subi %div3A_1469, %sub3A_1489 : i32
        %select_n3A_1491 = arith.select %and3A_1488, %sub3A_1490, %div3A_1469 : i32
        %jit3A_1492 = arith.constant 2 : i32
        %eq3A_1493 = arith.constant 0 : i32
        %eq3A_1494 = arith.cmpi eq, %jit3A_1492, %eq3A_1493 : i32
        %jit3A_1495 = arith.constant 1 : i32
        %select_n3A_1496 = arith.select %eq3A_1494, %jit3A_1495, %jit3A_1492 : i32
        %rem3A_1497 = arith.remsi %add3A_1467, %select_n3A_1496 : i32
        %ne3A_1498 = arith.constant 0 : i32
        %ne3A_1499 = arith.cmpi ne, %rem3A_1497, %ne3A_1498 : i32
        %lt3A_1500 = arith.constant 0 : i32
        %lt3A_1501 = arith.cmpi slt, %rem3A_1497, %lt3A_1500 : i32
        %lt3A_1502 = arith.constant 0 : i32
        %lt3A_1503 = arith.cmpi slt, %select_n3A_1496, %lt3A_1502 : i32
        %ne3A_1504 = arith.xori %lt3A_1501, %lt3A_1503 : i1
        %and3A_1505 = arith.andi %ne3A_1504, %ne3A_1499 : i1
        %add3A_1506 = arith.addi %rem3A_1497, %select_n3A_1496 : i32
        %select_n3A_1507 = arith.select %and3A_1505, %add3A_1506, %rem3A_1497 : i32
        %mul3A_1508 = arith.constant 64 : i32
        %mul3A_1509 = arith.muli %select_n3A_1507, %mul3A_1508 : i32
        %dma_start3A_1510 = arith.constant 0 : i32
        %dma_start3A_1511 = arith.constant 2 : i32
        %dma_start3A_1512 = arith.constant 0 : i32
        %dma_start3A_1513 = arith.constant 0 : i32
        %dma_start3A_1514 = tpu.memref_slice %arg6[%dma_start3A_1510, %dma_start3A_1511, %dma_start3A_1512, %dma_start3A_1513] : memref<2x5x64x128xf32, #tpu.memory_space<vmem>> -> memref<1x1x64x128xf32, #tpu.memory_space<vmem>>
        %dma_start3A_1515 = tpu.memref_squeeze %dma_start3A_1514 : memref<1x1x64x128xf32, #tpu.memory_space<vmem>> -> memref<64x128xf32, #tpu.memory_space<vmem>>
        %dma_start3A_1516 = tpu.memref_slice %arg5[%select_n3A_1491, %mul3A_1509] : memref<50x128xi32, #tpu.memory_space<vmem>> -> memref<1x64xi32, #tpu.memory_space<vmem>>
        %dma_start3A_1517 = tpu.memref_squeeze %dma_start3A_1516 : memref<1x64xi32, #tpu.memory_space<vmem>> -> memref<64xi32, #tpu.memory_space<vmem>>
        %dma_start3A_1518 = arith.constant 0 : i32
        %dma_start3A_1519 = arith.constant 0 : i32
        %dma_start3A_1520 = tpu.memref_slice %arg2[%dma_start3A_1518, %dma_start3A_1519] : memref<100000x128xf32, #tpu.memory_space<hbm>> -> memref<100000x128xf32, #tpu.memory_space<hbm>>
        tpu.enqueue_indirect_dma source(%dma_start3A_1520 : memref<100000x128xf32, #tpu.memory_space<hbm>>) target(%dma_start3A_1515 : memref<64x128xf32, #tpu.memory_space<vmem>>) offsets(%dma_start3A_1517 : memref<64xi32, #tpu.memory_space<vmem>>) semaphore(%arg7 : memref<!tpu.dma_semaphore, #tpu.memory_space<semaphore_mem>>)
        %add3A_1521 = arith.constant 1 : i32
        %add3A_1522 = arith.addi %add3A_851, %add3A_1521 : i32
        %mul3A_1523 = arith.constant 5 : i32
        %mul3A_1524 = arith.muli %add3A_1522, %mul3A_1523 : i32
        %add3A_1525 = arith.constant 3 : i32
        %add3A_1526 = arith.addi %mul3A_1524, %add3A_1525 : i32
        %jit3A_1527 = arith.constant 2 : i32
        %div3A_1528 = arith.divsi %add3A_1526, %jit3A_1527 : i32
        %sign3A_1529 = arith.constant 0 : i32
        %sign3A_1530 = arith.cmpi sgt, %add3A_1526, %sign3A_1529 : i32
        %sign3A_1531 = arith.extui %sign3A_1530 : i1 to i32
        %sign3A_1532 = arith.constant 0 : i32
        %sign3A_1533 = arith.cmpi slt, %add3A_1526, %sign3A_1532 : i32
        %sign3A_1534 = arith.extui %sign3A_1533 : i1 to i32
        %sign3A_1535 = arith.subi %sign3A_1531, %sign3A_1534 : i32
        %sign3A_1536 = arith.constant 0 : i32
        %sign3A_1537 = arith.cmpi sgt, %jit3A_1527, %sign3A_1536 : i32
        %sign3A_1538 = arith.extui %sign3A_1537 : i1 to i32
        %sign3A_1539 = arith.constant 0 : i32
        %sign3A_1540 = arith.cmpi slt, %jit3A_1527, %sign3A_1539 : i32
        %sign3A_1541 = arith.extui %sign3A_1540 : i1 to i32
        %sign3A_1542 = arith.subi %sign3A_1538, %sign3A_1541 : i32
        %ne3A_1543 = arith.cmpi ne, %sign3A_1535, %sign3A_1542 : i32
        %rem3A_1544 = arith.remsi %add3A_1526, %jit3A_1527 : i32
        %ne3A_1545 = arith.constant 0 : i32
        %ne3A_1546 = arith.cmpi ne, %rem3A_1544, %ne3A_1545 : i32
        %and3A_1547 = arith.andi %ne3A_1543, %ne3A_1546 : i1
        %sub3A_1548 = arith.constant 1 : i32
        %sub3A_1549 = arith.subi %div3A_1528, %sub3A_1548 : i32
        %select_n3A_1550 = arith.select %and3A_1547, %sub3A_1549, %div3A_1528 : i32
        %jit3A_1551 = arith.constant 2 : i32
        %eq3A_1552 = arith.constant 0 : i32
        %eq3A_1553 = arith.cmpi eq, %jit3A_1551, %eq3A_1552 : i32
        %jit3A_1554 = arith.constant 1 : i32
        %select_n3A_1555 = arith.select %eq3A_1553, %jit3A_1554, %jit3A_1551 : i32
        %rem3A_1556 = arith.remsi %add3A_1526, %select_n3A_1555 : i32
        %ne3A_1557 = arith.constant 0 : i32
        %ne3A_1558 = arith.cmpi ne, %rem3A_1556, %ne3A_1557 : i32
        %lt3A_1559 = arith.constant 0 : i32
        %lt3A_1560 = arith.cmpi slt, %rem3A_1556, %lt3A_1559 : i32
        %lt3A_1561 = arith.constant 0 : i32
        %lt3A_1562 = arith.cmpi slt, %select_n3A_1555, %lt3A_1561 : i32
        %ne3A_1563 = arith.xori %lt3A_1560, %lt3A_1562 : i1
        %and3A_1564 = arith.andi %ne3A_1563, %ne3A_1558 : i1
        %add3A_1565 = arith.addi %rem3A_1556, %select_n3A_1555 : i32
        %select_n3A_1566 = arith.select %and3A_1564, %add3A_1565, %rem3A_1556 : i32
        %mul3A_1567 = arith.constant 64 : i32
        %mul3A_1568 = arith.muli %select_n3A_1566, %mul3A_1567 : i32
        %dma_start3A_1569 = arith.constant 0 : i32
        %dma_start3A_1570 = arith.constant 3 : i32
        %dma_start3A_1571 = arith.constant 0 : i32
        %dma_start3A_1572 = arith.constant 0 : i32
        %dma_start3A_1573 = tpu.memref_slice %arg6[%dma_start3A_1569, %dma_start3A_1570, %dma_start3A_1571, %dma_start3A_1572] : memref<2x5x64x128xf32, #tpu.memory_space<vmem>> -> memref<1x1x64x128xf32, #tpu.memory_space<vmem>>
        %dma_start3A_1574 = tpu.memref_squeeze %dma_start3A_1573 : memref<1x1x64x128xf32, #tpu.memory_space<vmem>> -> memref<64x128xf32, #tpu.memory_space<vmem>>
        %dma_start3A_1575 = tpu.memref_slice %arg5[%select_n3A_1550, %mul3A_1568] : memref<50x128xi32, #tpu.memory_space<vmem>> -> memref<1x64xi32, #tpu.memory_space<vmem>>
        %dma_start3A_1576 = tpu.memref_squeeze %dma_start3A_1575 : memref<1x64xi32, #tpu.memory_space<vmem>> -> memref<64xi32, #tpu.memory_space<vmem>>
        %dma_start3A_1577 = arith.constant 0 : i32
        %dma_start3A_1578 = arith.constant 0 : i32
        %dma_start3A_1579 = tpu.memref_slice %arg2[%dma_start3A_1577, %dma_start3A_1578] : memref<100000x128xf32, #tpu.memory_space<hbm>> -> memref<100000x128xf32, #tpu.memory_space<hbm>>
        tpu.enqueue_indirect_dma source(%dma_start3A_1579 : memref<100000x128xf32, #tpu.memory_space<hbm>>) target(%dma_start3A_1574 : memref<64x128xf32, #tpu.memory_space<vmem>>) offsets(%dma_start3A_1576 : memref<64xi32, #tpu.memory_space<vmem>>) semaphore(%arg7 : memref<!tpu.dma_semaphore, #tpu.memory_space<semaphore_mem>>)
        %add3A_1580 = arith.constant 1 : i32
        %add3A_1581 = arith.addi %add3A_851, %add3A_1580 : i32
        %mul3A_1582 = arith.constant 5 : i32
        %mul3A_1583 = arith.muli %add3A_1581, %mul3A_1582 : i32
        %add3A_1584 = arith.constant 4 : i32
        %add3A_1585 = arith.addi %mul3A_1583, %add3A_1584 : i32
        %jit3A_1586 = arith.constant 2 : i32
        %div3A_1587 = arith.divsi %add3A_1585, %jit3A_1586 : i32
        %sign3A_1588 = arith.constant 0 : i32
        %sign3A_1589 = arith.cmpi sgt, %add3A_1585, %sign3A_1588 : i32
        %sign3A_1590 = arith.extui %sign3A_1589 : i1 to i32
        %sign3A_1591 = arith.constant 0 : i32
        %sign3A_1592 = arith.cmpi slt, %add3A_1585, %sign3A_1591 : i32
        %sign3A_1593 = arith.extui %sign3A_1592 : i1 to i32
        %sign3A_1594 = arith.subi %sign3A_1590, %sign3A_1593 : i32
        %sign3A_1595 = arith.constant 0 : i32
        %sign3A_1596 = arith.cmpi sgt, %jit3A_1586, %sign3A_1595 : i32
        %sign3A_1597 = arith.extui %sign3A_1596 : i1 to i32
        %sign3A_1598 = arith.constant 0 : i32
        %sign3A_1599 = arith.cmpi slt, %jit3A_1586, %sign3A_1598 : i32
        %sign3A_1600 = arith.extui %sign3A_1599 : i1 to i32
        %sign3A_1601 = arith.subi %sign3A_1597, %sign3A_1600 : i32
        %ne3A_1602 = arith.cmpi ne, %sign3A_1594, %sign3A_1601 : i32
        %rem3A_1603 = arith.remsi %add3A_1585, %jit3A_1586 : i32
        %ne3A_1604 = arith.constant 0 : i32
        %ne3A_1605 = arith.cmpi ne, %rem3A_1603, %ne3A_1604 : i32
        %and3A_1606 = arith.andi %ne3A_1602, %ne3A_1605 : i1
        %sub3A_1607 = arith.constant 1 : i32
        %sub3A_1608 = arith.subi %div3A_1587, %sub3A_1607 : i32
        %select_n3A_1609 = arith.select %and3A_1606, %sub3A_1608, %div3A_1587 : i32
        %jit3A_1610 = arith.constant 2 : i32
        %eq3A_1611 = arith.constant 0 : i32
        %eq3A_1612 = arith.cmpi eq, %jit3A_1610, %eq3A_1611 : i32
        %jit3A_1613 = arith.constant 1 : i32
        %select_n3A_1614 = arith.select %eq3A_1612, %jit3A_1613, %jit3A_1610 : i32
        %rem3A_1615 = arith.remsi %add3A_1585, %select_n3A_1614 : i32
        %ne3A_1616 = arith.constant 0 : i32
        %ne3A_1617 = arith.cmpi ne, %rem3A_1615, %ne3A_1616 : i32
        %lt3A_1618 = arith.constant 0 : i32
        %lt3A_1619 = arith.cmpi slt, %rem3A_1615, %lt3A_1618 : i32
        %lt3A_1620 = arith.constant 0 : i32
        %lt3A_1621 = arith.cmpi slt, %select_n3A_1614, %lt3A_1620 : i32
        %ne3A_1622 = arith.xori %lt3A_1619, %lt3A_1621 : i1
        %and3A_1623 = arith.andi %ne3A_1622, %ne3A_1617 : i1
        %add3A_1624 = arith.addi %rem3A_1615, %select_n3A_1614 : i32
        %select_n3A_1625 = arith.select %and3A_1623, %add3A_1624, %rem3A_1615 : i32
        %mul3A_1626 = arith.constant 64 : i32
        %mul3A_1627 = arith.muli %select_n3A_1625, %mul3A_1626 : i32
        %dma_start3A_1628 = arith.constant 0 : i32
        %dma_start3A_1629 = arith.constant 4 : i32
        %dma_start3A_1630 = arith.constant 0 : i32
        %dma_start3A_1631 = arith.constant 0 : i32
        %dma_start3A_1632 = tpu.memref_slice %arg6[%dma_start3A_1628, %dma_start3A_1629, %dma_start3A_1630, %dma_start3A_1631] : memref<2x5x64x128xf32, #tpu.memory_space<vmem>> -> memref<1x1x64x128xf32, #tpu.memory_space<vmem>>
        %dma_start3A_1633 = tpu.memref_squeeze %dma_start3A_1632 : memref<1x1x64x128xf32, #tpu.memory_space<vmem>> -> memref<64x128xf32, #tpu.memory_space<vmem>>
        %dma_start3A_1634 = tpu.memref_slice %arg5[%select_n3A_1609, %mul3A_1627] : memref<50x128xi32, #tpu.memory_space<vmem>> -> memref<1x64xi32, #tpu.memory_space<vmem>>
        %dma_start3A_1635 = tpu.memref_squeeze %dma_start3A_1634 : memref<1x64xi32, #tpu.memory_space<vmem>> -> memref<64xi32, #tpu.memory_space<vmem>>
        %dma_start3A_1636 = arith.constant 0 : i32
        %dma_start3A_1637 = arith.constant 0 : i32
        %dma_start3A_1638 = tpu.memref_slice %arg2[%dma_start3A_1636, %dma_start3A_1637] : memref<100000x128xf32, #tpu.memory_space<hbm>> -> memref<100000x128xf32, #tpu.memory_space<hbm>>
        tpu.enqueue_indirect_dma source(%dma_start3A_1638 : memref<100000x128xf32, #tpu.memory_space<hbm>>) target(%dma_start3A_1633 : memref<64x128xf32, #tpu.memory_space<vmem>>) offsets(%dma_start3A_1635 : memref<64xi32, #tpu.memory_space<vmem>>) semaphore(%arg7 : memref<!tpu.dma_semaphore, #tpu.memory_space<semaphore_mem>>)
      } else {
      }
      %dma_wait3A_944 = arith.constant 1 : i32
      %dma_wait3A_945 = arith.constant 0 : i32
      %dma_wait3A_946 = arith.constant 0 : i32
      %dma_wait3A_947 = arith.constant 0 : i32
      %dma_wait3A_948 = arith.constant 0 : i32
      %dma_wait3A_949 = tpu.memref_slice %arg6[%dma_wait3A_944, %dma_wait3A_945, %dma_wait3A_947, %dma_wait3A_948] : memref<2x5x64x128xf32, #tpu.memory_space<vmem>> -> memref<1x1x64x128xf32, #tpu.memory_space<vmem>>
      %dma_wait3A_950 = tpu.memref_squeeze %dma_wait3A_949 : memref<1x1x64x128xf32, #tpu.memory_space<vmem>> -> memref<64x128xf32, #tpu.memory_space<vmem>>
      %dma_wait3A_951 = arith.constant 0 : i32
      %dma_wait3A_952 = tpu.memref_slice %arg4[%dma_wait3A_946, %mul3A_2, %dma_wait3A_951] : memref<50x4096x128xf32, #tpu.memory_space<hbm>> -> memref<1x64x128xf32, #tpu.memory_space<hbm>>
      %dma_wait3A_953 = tpu.memref_squeeze %dma_wait3A_952 : memref<1x64x128xf32, #tpu.memory_space<hbm>> -> memref<64x128xf32, #tpu.memory_space<hbm>>
      %dma_wait3A_954 = arith.constant 0 : i32
      %dma_wait3A_955 = tpu.memref_slice %arg4[%dma_wait3A_946, %mul3A_2, %dma_wait3A_954] : memref<50x4096x128xf32, #tpu.memory_space<hbm>> -> memref<1x64x128xf32, #tpu.memory_space<hbm>>
      %dma_wait3A_956 = tpu.memref_squeeze %dma_wait3A_955 : memref<1x64x128xf32, #tpu.memory_space<hbm>> -> memref<64x128xf32, #tpu.memory_space<hbm>>
      %dma_wait3A_957 = arith.constant 0 : i32
      %dma_wait3A_958 = arith.constant 0 : i32
      %dma_wait3A_959 = tpu.memref_slice %arg6[%dma_wait3A_944, %dma_wait3A_945, %dma_wait3A_957, %dma_wait3A_958] : memref<2x5x64x128xf32, #tpu.memory_space<vmem>> -> memref<1x1x64x128xf32, #tpu.memory_space<vmem>>
      %dma_wait3A_960 = tpu.memref_squeeze %dma_wait3A_959 : memref<1x1x64x128xf32, #tpu.memory_space<vmem>> -> memref<64x128xf32, #tpu.memory_space<vmem>>
      tpu.wait_dma2 semaphore(%arg8 : memref<!tpu.dma_semaphore, #tpu.memory_space<semaphore_mem>>) src(%dma_wait3A_960 : memref<64x128xf32, #tpu.memory_space<vmem>>) dst(%dma_wait3A_956 : memref<64x128xf32, #tpu.memory_space<hbm>>)
      %dma_wait3A_961 = arith.constant 1 : i32
      %dma_wait3A_962 = arith.constant 1 : i32
      %dma_wait3A_963 = arith.constant 0 : i32
      %dma_wait3A_964 = arith.constant 0 : i32
      %dma_wait3A_965 = arith.constant 0 : i32
      %dma_wait3A_966 = tpu.memref_slice %arg6[%dma_wait3A_961, %dma_wait3A_962, %dma_wait3A_964, %dma_wait3A_965] : memref<2x5x64x128xf32, #tpu.memory_space<vmem>> -> memref<1x1x64x128xf32, #tpu.memory_space<vmem>>
      %dma_wait3A_967 = tpu.memref_squeeze %dma_wait3A_966 : memref<1x1x64x128xf32, #tpu.memory_space<vmem>> -> memref<64x128xf32, #tpu.memory_space<vmem>>
      %dma_wait3A_968 = arith.constant 0 : i32
      %dma_wait3A_969 = tpu.memref_slice %arg4[%dma_wait3A_963, %mul3A_2, %dma_wait3A_968] : memref<50x4096x128xf32, #tpu.memory_space<hbm>> -> memref<1x64x128xf32, #tpu.memory_space<hbm>>
      %dma_wait3A_970 = tpu.memref_squeeze %dma_wait3A_969 : memref<1x64x128xf32, #tpu.memory_space<hbm>> -> memref<64x128xf32, #tpu.memory_space<hbm>>
      %dma_wait3A_971 = arith.constant 0 : i32
      %dma_wait3A_972 = tpu.memref_slice %arg4[%dma_wait3A_963, %mul3A_2, %dma_wait3A_971] : memref<50x4096x128xf32, #tpu.memory_space<hbm>> -> memref<1x64x128xf32, #tpu.memory_space<hbm>>
      %dma_wait3A_973 = tpu.memref_squeeze %dma_wait3A_972 : memref<1x64x128xf32, #tpu.memory_space<hbm>> -> memref<64x128xf32, #tpu.memory_space<hbm>>
      %dma_wait3A_974 = arith.constant 0 : i32
      %dma_wait3A_975 = arith.constant 0 : i32
      %dma_wait3A_976 = tpu.memref_slice %arg6[%dma_wait3A_961, %dma_wait3A_962, %dma_wait3A_974, %dma_wait3A_975] : memref<2x5x64x128xf32, #tpu.memory_space<vmem>> -> memref<1x1x64x128xf32, #tpu.memory_space<vmem>>
      %dma_wait3A_977 = tpu.memref_squeeze %dma_wait3A_976 : memref<1x1x64x128xf32, #tpu.memory_space<vmem>> -> memref<64x128xf32, #tpu.memory_space<vmem>>
      tpu.wait_dma2 semaphore(%arg8 : memref<!tpu.dma_semaphore, #tpu.memory_space<semaphore_mem>>) src(%dma_wait3A_977 : memref<64x128xf32, #tpu.memory_space<vmem>>) dst(%dma_wait3A_973 : memref<64x128xf32, #tpu.memory_space<hbm>>)
      %dma_wait3A_978 = arith.constant 1 : i32
      %dma_wait3A_979 = arith.constant 2 : i32
      %dma_wait3A_980 = arith.constant 0 : i32
      %dma_wait3A_981 = arith.constant 0 : i32
      %dma_wait3A_982 = arith.constant 0 : i32
      %dma_wait3A_983 = tpu.memref_slice %arg6[%dma_wait3A_978, %dma_wait3A_979, %dma_wait3A_981, %dma_wait3A_982] : memref<2x5x64x128xf32, #tpu.memory_space<vmem>> -> memref<1x1x64x128xf32, #tpu.memory_space<vmem>>
      %dma_wait3A_984 = tpu.memref_squeeze %dma_wait3A_983 : memref<1x1x64x128xf32, #tpu.memory_space<vmem>> -> memref<64x128xf32, #tpu.memory_space<vmem>>
      %dma_wait3A_985 = arith.constant 0 : i32
      %dma_wait3A_986 = tpu.memref_slice %arg4[%dma_wait3A_980, %mul3A_2, %dma_wait3A_985] : memref<50x4096x128xf32, #tpu.memory_space<hbm>> -> memref<1x64x128xf32, #tpu.memory_space<hbm>>
      %dma_wait3A_987 = tpu.memref_squeeze %dma_wait3A_986 : memref<1x64x128xf32, #tpu.memory_space<hbm>> -> memref<64x128xf32, #tpu.memory_space<hbm>>
      %dma_wait3A_988 = arith.constant 0 : i32
      %dma_wait3A_989 = tpu.memref_slice %arg4[%dma_wait3A_980, %mul3A_2, %dma_wait3A_988] : memref<50x4096x128xf32, #tpu.memory_space<hbm>> -> memref<1x64x128xf32, #tpu.memory_space<hbm>>
      %dma_wait3A_990 = tpu.memref_squeeze %dma_wait3A_989 : memref<1x64x128xf32, #tpu.memory_space<hbm>> -> memref<64x128xf32, #tpu.memory_space<hbm>>
      %dma_wait3A_991 = arith.constant 0 : i32
      %dma_wait3A_992 = arith.constant 0 : i32
      %dma_wait3A_993 = tpu.memref_slice %arg6[%dma_wait3A_978, %dma_wait3A_979, %dma_wait3A_991, %dma_wait3A_992] : memref<2x5x64x128xf32, #tpu.memory_space<vmem>> -> memref<1x1x64x128xf32, #tpu.memory_space<vmem>>
      %dma_wait3A_994 = tpu.memref_squeeze %dma_wait3A_993 : memref<1x1x64x128xf32, #tpu.memory_space<vmem>> -> memref<64x128xf32, #tpu.memory_space<vmem>>
      tpu.wait_dma2 semaphore(%arg8 : memref<!tpu.dma_semaphore, #tpu.memory_space<semaphore_mem>>) src(%dma_wait3A_994 : memref<64x128xf32, #tpu.memory_space<vmem>>) dst(%dma_wait3A_990 : memref<64x128xf32, #tpu.memory_space<hbm>>)
      %dma_wait3A_995 = arith.constant 1 : i32
      %dma_wait3A_996 = arith.constant 3 : i32
      %dma_wait3A_997 = arith.constant 0 : i32
      %dma_wait3A_998 = arith.constant 0 : i32
      %dma_wait3A_999 = arith.constant 0 : i32
      %dma_wait3A_1000 = tpu.memref_slice %arg6[%dma_wait3A_995, %dma_wait3A_996, %dma_wait3A_998, %dma_wait3A_999] : memref<2x5x64x128xf32, #tpu.memory_space<vmem>> -> memref<1x1x64x128xf32, #tpu.memory_space<vmem>>
      %dma_wait3A_1001 = tpu.memref_squeeze %dma_wait3A_1000 : memref<1x1x64x128xf32, #tpu.memory_space<vmem>> -> memref<64x128xf32, #tpu.memory_space<vmem>>
      %dma_wait3A_1002 = arith.constant 0 : i32
      %dma_wait3A_1003 = tpu.memref_slice %arg4[%dma_wait3A_997, %mul3A_2, %dma_wait3A_1002] : memref<50x4096x128xf32, #tpu.memory_space<hbm>> -> memref<1x64x128xf32, #tpu.memory_space<hbm>>
      %dma_wait3A_1004 = tpu.memref_squeeze %dma_wait3A_1003 : memref<1x64x128xf32, #tpu.memory_space<hbm>> -> memref<64x128xf32, #tpu.memory_space<hbm>>
      %dma_wait3A_1005 = arith.constant 0 : i32
      %dma_wait3A_1006 = tpu.memref_slice %arg4[%dma_wait3A_997, %mul3A_2, %dma_wait3A_1005] : memref<50x4096x128xf32, #tpu.memory_space<hbm>> -> memref<1x64x128xf32, #tpu.memory_space<hbm>>
      %dma_wait3A_1007 = tpu.memref_squeeze %dma_wait3A_1006 : memref<1x64x128xf32, #tpu.memory_space<hbm>> -> memref<64x128xf32, #tpu.memory_space<hbm>>
      %dma_wait3A_1008 = arith.constant 0 : i32
      %dma_wait3A_1009 = arith.constant 0 : i32
      %dma_wait3A_1010 = tpu.memref_slice %arg6[%dma_wait3A_995, %dma_wait3A_996, %dma_wait3A_1008, %dma_wait3A_1009] : memref<2x5x64x128xf32, #tpu.memory_space<vmem>> -> memref<1x1x64x128xf32, #tpu.memory_space<vmem>>
      %dma_wait3A_1011 = tpu.memref_squeeze %dma_wait3A_1010 : memref<1x1x64x128xf32, #tpu.memory_space<vmem>> -> memref<64x128xf32, #tpu.memory_space<vmem>>
      tpu.wait_dma2 semaphore(%arg8 : memref<!tpu.dma_semaphore, #tpu.memory_space<semaphore_mem>>) src(%dma_wait3A_1011 : memref<64x128xf32, #tpu.memory_space<vmem>>) dst(%dma_wait3A_1007 : memref<64x128xf32, #tpu.memory_space<hbm>>)
      %dma_wait3A_1012 = arith.constant 1 : i32
      %dma_wait3A_1013 = arith.constant 4 : i32
      %dma_wait3A_1014 = arith.constant 0 : i32
      %dma_wait3A_1015 = arith.constant 0 : i32
      %dma_wait3A_1016 = arith.constant 0 : i32
      %dma_wait3A_1017 = tpu.memref_slice %arg6[%dma_wait3A_1012, %dma_wait3A_1013, %dma_wait3A_1015, %dma_wait3A_1016] : memref<2x5x64x128xf32, #tpu.memory_space<vmem>> -> memref<1x1x64x128xf32, #tpu.memory_space<vmem>>
      %dma_wait3A_1018 = tpu.memref_squeeze %dma_wait3A_1017 : memref<1x1x64x128xf32, #tpu.memory_space<vmem>> -> memref<64x128xf32, #tpu.memory_space<vmem>>
      %dma_wait3A_1019 = arith.constant 0 : i32
      %dma_wait3A_1020 = tpu.memref_slice %arg4[%dma_wait3A_1014, %mul3A_2, %dma_wait3A_1019] : memref<50x4096x128xf32, #tpu.memory_space<hbm>> -> memref<1x64x128xf32, #tpu.memory_space<hbm>>
      %dma_wait3A_1021 = tpu.memref_squeeze %dma_wait3A_1020 : memref<1x64x128xf32, #tpu.memory_space<hbm>> -> memref<64x128xf32, #tpu.memory_space<hbm>>
      %dma_wait3A_1022 = arith.constant 0 : i32
      %dma_wait3A_1023 = tpu.memref_slice %arg4[%dma_wait3A_1014, %mul3A_2, %dma_wait3A_1022] : memref<50x4096x128xf32, #tpu.memory_space<hbm>> -> memref<1x64x128xf32, #tpu.memory_space<hbm>>
      %dma_wait3A_1024 = tpu.memref_squeeze %dma_wait3A_1023 : memref<1x64x128xf32, #tpu.memory_space<hbm>> -> memref<64x128xf32, #tpu.memory_space<hbm>>
      %dma_wait3A_1025 = arith.constant 0 : i32
      %dma_wait3A_1026 = arith.constant 0 : i32
      %dma_wait3A_1027 = tpu.memref_slice %arg6[%dma_wait3A_1012, %dma_wait3A_1013, %dma_wait3A_1025, %dma_wait3A_1026] : memref<2x5x64x128xf32, #tpu.memory_space<vmem>> -> memref<1x1x64x128xf32, #tpu.memory_space<vmem>>
      %dma_wait3A_1028 = tpu.memref_squeeze %dma_wait3A_1027 : memref<1x1x64x128xf32, #tpu.memory_space<vmem>> -> memref<64x128xf32, #tpu.memory_space<vmem>>
      tpu.wait_dma2 semaphore(%arg8 : memref<!tpu.dma_semaphore, #tpu.memory_space<semaphore_mem>>) src(%dma_wait3A_1028 : memref<64x128xf32, #tpu.memory_space<vmem>>) dst(%dma_wait3A_1024 : memref<64x128xf32, #tpu.memory_space<hbm>>)
      %mul3A_1029 = arith.constant 5 : i32
      %mul3A_1030 = arith.muli %add3A_851, %mul3A_1029 : i32
      %add3A_1031 = arith.constant 0 : i32
      %add3A_1032 = arith.addi %mul3A_1030, %add3A_1031 : i32
      %jit3A_1033 = arith.constant 2 : i32
      %div3A_1034 = arith.divsi %add3A_1032, %jit3A_1033 : i32
      %sign3A_1035 = arith.constant 0 : i32
      %sign3A_1036 = arith.cmpi sgt, %add3A_1032, %sign3A_1035 : i32
      %sign3A_1037 = arith.extui %sign3A_1036 : i1 to i32
      %sign3A_1038 = arith.constant 0 : i32
      %sign3A_1039 = arith.cmpi slt, %add3A_1032, %sign3A_1038 : i32
      %sign3A_1040 = arith.extui %sign3A_1039 : i1 to i32
      %sign3A_1041 = arith.subi %sign3A_1037, %sign3A_1040 : i32
      %sign3A_1042 = arith.constant 0 : i32
      %sign3A_1043 = arith.cmpi sgt, %jit3A_1033, %sign3A_1042 : i32
      %sign3A_1044 = arith.extui %sign3A_1043 : i1 to i32
      %sign3A_1045 = arith.constant 0 : i32
      %sign3A_1046 = arith.cmpi slt, %jit3A_1033, %sign3A_1045 : i32
      %sign3A_1047 = arith.extui %sign3A_1046 : i1 to i32
      %sign3A_1048 = arith.subi %sign3A_1044, %sign3A_1047 : i32
      %ne3A_1049 = arith.cmpi ne, %sign3A_1041, %sign3A_1048 : i32
      %rem3A_1050 = arith.remsi %add3A_1032, %jit3A_1033 : i32
      %ne3A_1051 = arith.constant 0 : i32
      %ne3A_1052 = arith.cmpi ne, %rem3A_1050, %ne3A_1051 : i32
      %and3A_1053 = arith.andi %ne3A_1049, %ne3A_1052 : i1
      %sub3A_1054 = arith.constant 1 : i32
      %sub3A_1055 = arith.subi %div3A_1034, %sub3A_1054 : i32
      %select_n3A_1056 = arith.select %and3A_1053, %sub3A_1055, %div3A_1034 : i32
      %jit3A_1057 = arith.constant 2 : i32
      %eq3A_1058 = arith.constant 0 : i32
      %eq3A_1059 = arith.cmpi eq, %jit3A_1057, %eq3A_1058 : i32
      %jit3A_1060 = arith.constant 1 : i32
      %select_n3A_1061 = arith.select %eq3A_1059, %jit3A_1060, %jit3A_1057 : i32
      %rem3A_1062 = arith.remsi %add3A_1032, %select_n3A_1061 : i32
      %ne3A_1063 = arith.constant 0 : i32
      %ne3A_1064 = arith.cmpi ne, %rem3A_1062, %ne3A_1063 : i32
      %lt3A_1065 = arith.constant 0 : i32
      %lt3A_1066 = arith.cmpi slt, %rem3A_1062, %lt3A_1065 : i32
      %lt3A_1067 = arith.constant 0 : i32
      %lt3A_1068 = arith.cmpi slt, %select_n3A_1061, %lt3A_1067 : i32
      %ne3A_1069 = arith.xori %lt3A_1066, %lt3A_1068 : i1
      %and3A_1070 = arith.andi %ne3A_1069, %ne3A_1064 : i1
      %add3A_1071 = arith.addi %rem3A_1062, %select_n3A_1061 : i32
      %select_n3A_1072 = arith.select %and3A_1070, %add3A_1071, %rem3A_1062 : i32
      %mul3A_1073 = arith.constant 64 : i32
      %mul3A_1074 = arith.muli %select_n3A_1072, %mul3A_1073 : i32
      %add3A_1075 = arith.addi %mul3A_2, %mul3A_1074 : i32
      %dma_start3A_1076 = arith.constant 1 : i32
      %dma_start3A_1077 = arith.constant 0 : i32
      %dma_start3A_1078 = arith.constant 0 : i32
      %dma_start3A_1079 = arith.constant 0 : i32
      %dma_start3A_1080 = tpu.memref_slice %arg6[%dma_start3A_1076, %dma_start3A_1077, %dma_start3A_1078, %dma_start3A_1079] : memref<2x5x64x128xf32, #tpu.memory_space<vmem>> -> memref<1x1x64x128xf32, #tpu.memory_space<vmem>>
      %dma_start3A_1081 = tpu.memref_squeeze %dma_start3A_1080 : memref<1x1x64x128xf32, #tpu.memory_space<vmem>> -> memref<64x128xf32, #tpu.memory_space<vmem>>
      %dma_start3A_1082 = arith.constant 0 : i32
      %dma_start3A_1083 = tpu.memref_slice %arg4[%select_n3A_1056, %add3A_1075, %dma_start3A_1082] : memref<50x4096x128xf32, #tpu.memory_space<hbm>> -> memref<1x64x128xf32, #tpu.memory_space<hbm>>
      %dma_start3A_1084 = tpu.memref_squeeze %dma_start3A_1083 : memref<1x64x128xf32, #tpu.memory_space<hbm>> -> memref<64x128xf32, #tpu.memory_space<hbm>>
      %dma_start3A_1085 = arith.constant 0 : i32
      %dma_start3A_1086 = tpu.memref_slice %arg4[%select_n3A_1056, %add3A_1075, %dma_start3A_1085] : memref<50x4096x128xf32, #tpu.memory_space<hbm>> -> memref<1x64x128xf32, #tpu.memory_space<hbm>>
      %dma_start3A_1087 = tpu.memref_squeeze %dma_start3A_1086 : memref<1x64x128xf32, #tpu.memory_space<hbm>> -> memref<64x128xf32, #tpu.memory_space<hbm>>
      %dma_start3A_1088 = arith.constant 0 : i32
      %dma_start3A_1089 = arith.constant 0 : i32
      %dma_start3A_1090 = tpu.memref_slice %arg6[%dma_start3A_1076, %dma_start3A_1077, %dma_start3A_1088, %dma_start3A_1089] : memref<2x5x64x128xf32, #tpu.memory_space<vmem>> -> memref<1x1x64x128xf32, #tpu.memory_space<vmem>>
      %dma_start3A_1091 = tpu.memref_squeeze %dma_start3A_1090 : memref<1x1x64x128xf32, #tpu.memory_space<vmem>> -> memref<64x128xf32, #tpu.memory_space<vmem>>
      tpu.enqueue_dma source(%dma_start3A_1091 : memref<64x128xf32, #tpu.memory_space<vmem>>) target(%dma_start3A_1087 : memref<64x128xf32, #tpu.memory_space<hbm>>) target_semaphore(%arg9 : memref<!tpu.dma_semaphore, #tpu.memory_space<semaphore_mem>>)
      %mul3A_1092 = arith.constant 5 : i32
      %mul3A_1093 = arith.muli %add3A_851, %mul3A_1092 : i32
      %add3A_1094 = arith.constant 1 : i32
      %add3A_1095 = arith.addi %mul3A_1093, %add3A_1094 : i32
      %jit3A_1096 = arith.constant 2 : i32
      %div3A_1097 = arith.divsi %add3A_1095, %jit3A_1096 : i32
      %sign3A_1098 = arith.constant 0 : i32
      %sign3A_1099 = arith.cmpi sgt, %add3A_1095, %sign3A_1098 : i32
      %sign3A_1100 = arith.extui %sign3A_1099 : i1 to i32
      %sign3A_1101 = arith.constant 0 : i32
      %sign3A_1102 = arith.cmpi slt, %add3A_1095, %sign3A_1101 : i32
      %sign3A_1103 = arith.extui %sign3A_1102 : i1 to i32
      %sign3A_1104 = arith.subi %sign3A_1100, %sign3A_1103 : i32
      %sign3A_1105 = arith.constant 0 : i32
      %sign3A_1106 = arith.cmpi sgt, %jit3A_1096, %sign3A_1105 : i32
      %sign3A_1107 = arith.extui %sign3A_1106 : i1 to i32
      %sign3A_1108 = arith.constant 0 : i32
      %sign3A_1109 = arith.cmpi slt, %jit3A_1096, %sign3A_1108 : i32
      %sign3A_1110 = arith.extui %sign3A_1109 : i1 to i32
      %sign3A_1111 = arith.subi %sign3A_1107, %sign3A_1110 : i32
      %ne3A_1112 = arith.cmpi ne, %sign3A_1104, %sign3A_1111 : i32
      %rem3A_1113 = arith.remsi %add3A_1095, %jit3A_1096 : i32
      %ne3A_1114 = arith.constant 0 : i32
      %ne3A_1115 = arith.cmpi ne, %rem3A_1113, %ne3A_1114 : i32
      %and3A_1116 = arith.andi %ne3A_1112, %ne3A_1115 : i1
      %sub3A_1117 = arith.constant 1 : i32
      %sub3A_1118 = arith.subi %div3A_1097, %sub3A_1117 : i32
      %select_n3A_1119 = arith.select %and3A_1116, %sub3A_1118, %div3A_1097 : i32
      %jit3A_1120 = arith.constant 2 : i32
      %eq3A_1121 = arith.constant 0 : i32
      %eq3A_1122 = arith.cmpi eq, %jit3A_1120, %eq3A_1121 : i32
      %jit3A_1123 = arith.constant 1 : i32
      %select_n3A_1124 = arith.select %eq3A_1122, %jit3A_1123, %jit3A_1120 : i32
      %rem3A_1125 = arith.remsi %add3A_1095, %select_n3A_1124 : i32
      %ne3A_1126 = arith.constant 0 : i32
      %ne3A_1127 = arith.cmpi ne, %rem3A_1125, %ne3A_1126 : i32
      %lt3A_1128 = arith.constant 0 : i32
      %lt3A_1129 = arith.cmpi slt, %rem3A_1125, %lt3A_1128 : i32
      %lt3A_1130 = arith.constant 0 : i32
      %lt3A_1131 = arith.cmpi slt, %select_n3A_1124, %lt3A_1130 : i32
      %ne3A_1132 = arith.xori %lt3A_1129, %lt3A_1131 : i1
      %and3A_1133 = arith.andi %ne3A_1132, %ne3A_1127 : i1
      %add3A_1134 = arith.addi %rem3A_1125, %select_n3A_1124 : i32
      %select_n3A_1135 = arith.select %and3A_1133, %add3A_1134, %rem3A_1125 : i32
      %mul3A_1136 = arith.constant 64 : i32
      %mul3A_1137 = arith.muli %select_n3A_1135, %mul3A_1136 : i32
      %add3A_1138 = arith.addi %mul3A_2, %mul3A_1137 : i32
      %dma_start3A_1139 = arith.constant 1 : i32
      %dma_start3A_1140 = arith.constant 1 : i32
      %dma_start3A_1141 = arith.constant 0 : i32
      %dma_start3A_1142 = arith.constant 0 : i32
      %dma_start3A_1143 = tpu.memref_slice %arg6[%dma_start3A_1139, %dma_start3A_1140, %dma_start3A_1141, %dma_start3A_1142] : memref<2x5x64x128xf32, #tpu.memory_space<vmem>> -> memref<1x1x64x128xf32, #tpu.memory_space<vmem>>
      %dma_start3A_1144 = tpu.memref_squeeze %dma_start3A_1143 : memref<1x1x64x128xf32, #tpu.memory_space<vmem>> -> memref<64x128xf32, #tpu.memory_space<vmem>>
      %dma_start3A_1145 = arith.constant 0 : i32
      %dma_start3A_1146 = tpu.memref_slice %arg4[%select_n3A_1119, %add3A_1138, %dma_start3A_1145] : memref<50x4096x128xf32, #tpu.memory_space<hbm>> -> memref<1x64x128xf32, #tpu.memory_space<hbm>>
      %dma_start3A_1147 = tpu.memref_squeeze %dma_start3A_1146 : memref<1x64x128xf32, #tpu.memory_space<hbm>> -> memref<64x128xf32, #tpu.memory_space<hbm>>
      %dma_start3A_1148 = arith.constant 0 : i32
      %dma_start3A_1149 = tpu.memref_slice %arg4[%select_n3A_1119, %add3A_1138, %dma_start3A_1148] : memref<50x4096x128xf32, #tpu.memory_space<hbm>> -> memref<1x64x128xf32, #tpu.memory_space<hbm>>
      %dma_start3A_1150 = tpu.memref_squeeze %dma_start3A_1149 : memref<1x64x128xf32, #tpu.memory_space<hbm>> -> memref<64x128xf32, #tpu.memory_space<hbm>>
      %dma_start3A_1151 = arith.constant 0 : i32
      %dma_start3A_1152 = arith.constant 0 : i32
      %dma_start3A_1153 = tpu.memref_slice %arg6[%dma_start3A_1139, %dma_start3A_1140, %dma_start3A_1151, %dma_start3A_1152] : memref<2x5x64x128xf32, #tpu.memory_space<vmem>> -> memref<1x1x64x128xf32, #tpu.memory_space<vmem>>
      %dma_start3A_1154 = tpu.memref_squeeze %dma_start3A_1153 : memref<1x1x64x128xf32, #tpu.memory_space<vmem>> -> memref<64x128xf32, #tpu.memory_space<vmem>>
      tpu.enqueue_dma source(%dma_start3A_1154 : memref<64x128xf32, #tpu.memory_space<vmem>>) target(%dma_start3A_1150 : memref<64x128xf32, #tpu.memory_space<hbm>>) target_semaphore(%arg9 : memref<!tpu.dma_semaphore, #tpu.memory_space<semaphore_mem>>)
      %mul3A_1155 = arith.constant 5 : i32
      %mul3A_1156 = arith.muli %add3A_851, %mul3A_1155 : i32
      %add3A_1157 = arith.constant 2 : i32
      %add3A_1158 = arith.addi %mul3A_1156, %add3A_1157 : i32
      %jit3A_1159 = arith.constant 2 : i32
      %div3A_1160 = arith.divsi %add3A_1158, %jit3A_1159 : i32
      %sign3A_1161 = arith.constant 0 : i32
      %sign3A_1162 = arith.cmpi sgt, %add3A_1158, %sign3A_1161 : i32
      %sign3A_1163 = arith.extui %sign3A_1162 : i1 to i32
      %sign3A_1164 = arith.constant 0 : i32
      %sign3A_1165 = arith.cmpi slt, %add3A_1158, %sign3A_1164 : i32
      %sign3A_1166 = arith.extui %sign3A_1165 : i1 to i32
      %sign3A_1167 = arith.subi %sign3A_1163, %sign3A_1166 : i32
      %sign3A_1168 = arith.constant 0 : i32
      %sign3A_1169 = arith.cmpi sgt, %jit3A_1159, %sign3A_1168 : i32
      %sign3A_1170 = arith.extui %sign3A_1169 : i1 to i32
      %sign3A_1171 = arith.constant 0 : i32
      %sign3A_1172 = arith.cmpi slt, %jit3A_1159, %sign3A_1171 : i32
      %sign3A_1173 = arith.extui %sign3A_1172 : i1 to i32
      %sign3A_1174 = arith.subi %sign3A_1170, %sign3A_1173 : i32
      %ne3A_1175 = arith.cmpi ne, %sign3A_1167, %sign3A_1174 : i32
      %rem3A_1176 = arith.remsi %add3A_1158, %jit3A_1159 : i32
      %ne3A_1177 = arith.constant 0 : i32
      %ne3A_1178 = arith.cmpi ne, %rem3A_1176, %ne3A_1177 : i32
      %and3A_1179 = arith.andi %ne3A_1175, %ne3A_1178 : i1
      %sub3A_1180 = arith.constant 1 : i32
      %sub3A_1181 = arith.subi %div3A_1160, %sub3A_1180 : i32
      %select_n3A_1182 = arith.select %and3A_1179, %sub3A_1181, %div3A_1160 : i32
      %jit3A_1183 = arith.constant 2 : i32
      %eq3A_1184 = arith.constant 0 : i32
      %eq3A_1185 = arith.cmpi eq, %jit3A_1183, %eq3A_1184 : i32
      %jit3A_1186 = arith.constant 1 : i32
      %select_n3A_1187 = arith.select %eq3A_1185, %jit3A_1186, %jit3A_1183 : i32
      %rem3A_1188 = arith.remsi %add3A_1158, %select_n3A_1187 : i32
      %ne3A_1189 = arith.constant 0 : i32
      %ne3A_1190 = arith.cmpi ne, %rem3A_1188, %ne3A_1189 : i32
      %lt3A_1191 = arith.constant 0 : i32
      %lt3A_1192 = arith.cmpi slt, %rem3A_1188, %lt3A_1191 : i32
      %lt3A_1193 = arith.constant 0 : i32
      %lt3A_1194 = arith.cmpi slt, %select_n3A_1187, %lt3A_1193 : i32
      %ne3A_1195 = arith.xori %lt3A_1192, %lt3A_1194 : i1
      %and3A_1196 = arith.andi %ne3A_1195, %ne3A_1190 : i1
      %add3A_1197 = arith.addi %rem3A_1188, %select_n3A_1187 : i32
      %select_n3A_1198 = arith.select %and3A_1196, %add3A_1197, %rem3A_1188 : i32
      %mul3A_1199 = arith.constant 64 : i32
      %mul3A_1200 = arith.muli %select_n3A_1198, %mul3A_1199 : i32
      %add3A_1201 = arith.addi %mul3A_2, %mul3A_1200 : i32
      %dma_start3A_1202 = arith.constant 1 : i32
      %dma_start3A_1203 = arith.constant 2 : i32
      %dma_start3A_1204 = arith.constant 0 : i32
      %dma_start3A_1205 = arith.constant 0 : i32
      %dma_start3A_1206 = tpu.memref_slice %arg6[%dma_start3A_1202, %dma_start3A_1203, %dma_start3A_1204, %dma_start3A_1205] : memref<2x5x64x128xf32, #tpu.memory_space<vmem>> -> memref<1x1x64x128xf32, #tpu.memory_space<vmem>>
      %dma_start3A_1207 = tpu.memref_squeeze %dma_start3A_1206 : memref<1x1x64x128xf32, #tpu.memory_space<vmem>> -> memref<64x128xf32, #tpu.memory_space<vmem>>
      %dma_start3A_1208 = arith.constant 0 : i32
      %dma_start3A_1209 = tpu.memref_slice %arg4[%select_n3A_1182, %add3A_1201, %dma_start3A_1208] : memref<50x4096x128xf32, #tpu.memory_space<hbm>> -> memref<1x64x128xf32, #tpu.memory_space<hbm>>
      %dma_start3A_1210 = tpu.memref_squeeze %dma_start3A_1209 : memref<1x64x128xf32, #tpu.memory_space<hbm>> -> memref<64x128xf32, #tpu.memory_space<hbm>>
      %dma_start3A_1211 = arith.constant 0 : i32
      %dma_start3A_1212 = tpu.memref_slice %arg4[%select_n3A_1182, %add3A_1201, %dma_start3A_1211] : memref<50x4096x128xf32, #tpu.memory_space<hbm>> -> memref<1x64x128xf32, #tpu.memory_space<hbm>>
      %dma_start3A_1213 = tpu.memref_squeeze %dma_start3A_1212 : memref<1x64x128xf32, #tpu.memory_space<hbm>> -> memref<64x128xf32, #tpu.memory_space<hbm>>
      %dma_start3A_1214 = arith.constant 0 : i32
      %dma_start3A_1215 = arith.constant 0 : i32
      %dma_start3A_1216 = tpu.memref_slice %arg6[%dma_start3A_1202, %dma_start3A_1203, %dma_start3A_1214, %dma_start3A_1215] : memref<2x5x64x128xf32, #tpu.memory_space<vmem>> -> memref<1x1x64x128xf32, #tpu.memory_space<vmem>>
      %dma_start3A_1217 = tpu.memref_squeeze %dma_start3A_1216 : memref<1x1x64x128xf32, #tpu.memory_space<vmem>> -> memref<64x128xf32, #tpu.memory_space<vmem>>
      tpu.enqueue_dma source(%dma_start3A_1217 : memref<64x128xf32, #tpu.memory_space<vmem>>) target(%dma_start3A_1213 : memref<64x128xf32, #tpu.memory_space<hbm>>) target_semaphore(%arg9 : memref<!tpu.dma_semaphore, #tpu.memory_space<semaphore_mem>>)
      %mul3A_1218 = arith.constant 5 : i32
      %mul3A_1219 = arith.muli %add3A_851, %mul3A_1218 : i32
      %add3A_1220 = arith.constant 3 : i32
      %add3A_1221 = arith.addi %mul3A_1219, %add3A_1220 : i32
      %jit3A_1222 = arith.constant 2 : i32
      %div3A_1223 = arith.divsi %add3A_1221, %jit3A_1222 : i32
      %sign3A_1224 = arith.constant 0 : i32
      %sign3A_1225 = arith.cmpi sgt, %add3A_1221, %sign3A_1224 : i32
      %sign3A_1226 = arith.extui %sign3A_1225 : i1 to i32
      %sign3A_1227 = arith.constant 0 : i32
      %sign3A_1228 = arith.cmpi slt, %add3A_1221, %sign3A_1227 : i32
      %sign3A_1229 = arith.extui %sign3A_1228 : i1 to i32
      %sign3A_1230 = arith.subi %sign3A_1226, %sign3A_1229 : i32
      %sign3A_1231 = arith.constant 0 : i32
      %sign3A_1232 = arith.cmpi sgt, %jit3A_1222, %sign3A_1231 : i32
      %sign3A_1233 = arith.extui %sign3A_1232 : i1 to i32
      %sign3A_1234 = arith.constant 0 : i32
      %sign3A_1235 = arith.cmpi slt, %jit3A_1222, %sign3A_1234 : i32
      %sign3A_1236 = arith.extui %sign3A_1235 : i1 to i32
      %sign3A_1237 = arith.subi %sign3A_1233, %sign3A_1236 : i32
      %ne3A_1238 = arith.cmpi ne, %sign3A_1230, %sign3A_1237 : i32
      %rem3A_1239 = arith.remsi %add3A_1221, %jit3A_1222 : i32
      %ne3A_1240 = arith.constant 0 : i32
      %ne3A_1241 = arith.cmpi ne, %rem3A_1239, %ne3A_1240 : i32
      %and3A_1242 = arith.andi %ne3A_1238, %ne3A_1241 : i1
      %sub3A_1243 = arith.constant 1 : i32
      %sub3A_1244 = arith.subi %div3A_1223, %sub3A_1243 : i32
      %select_n3A_1245 = arith.select %and3A_1242, %sub3A_1244, %div3A_1223 : i32
      %jit3A_1246 = arith.constant 2 : i32
      %eq3A_1247 = arith.constant 0 : i32
      %eq3A_1248 = arith.cmpi eq, %jit3A_1246, %eq3A_1247 : i32
      %jit3A_1249 = arith.constant 1 : i32
      %select_n3A_1250 = arith.select %eq3A_1248, %jit3A_1249, %jit3A_1246 : i32
      %rem3A_1251 = arith.remsi %add3A_1221, %select_n3A_1250 : i32
      %ne3A_1252 = arith.constant 0 : i32
      %ne3A_1253 = arith.cmpi ne, %rem3A_1251, %ne3A_1252 : i32
      %lt3A_1254 = arith.constant 0 : i32
      %lt3A_1255 = arith.cmpi slt, %rem3A_1251, %lt3A_1254 : i32
      %lt3A_1256 = arith.constant 0 : i32
      %lt3A_1257 = arith.cmpi slt, %select_n3A_1250, %lt3A_1256 : i32
      %ne3A_1258 = arith.xori %lt3A_1255, %lt3A_1257 : i1
      %and3A_1259 = arith.andi %ne3A_1258, %ne3A_1253 : i1
      %add3A_1260 = arith.addi %rem3A_1251, %select_n3A_1250 : i32
      %select_n3A_1261 = arith.select %and3A_1259, %add3A_1260, %rem3A_1251 : i32
      %mul3A_1262 = arith.constant 64 : i32
      %mul3A_1263 = arith.muli %select_n3A_1261, %mul3A_1262 : i32
      %add3A_1264 = arith.addi %mul3A_2, %mul3A_1263 : i32
      %dma_start3A_1265 = arith.constant 1 : i32
      %dma_start3A_1266 = arith.constant 3 : i32
      %dma_start3A_1267 = arith.constant 0 : i32
      %dma_start3A_1268 = arith.constant 0 : i32
      %dma_start3A_1269 = tpu.memref_slice %arg6[%dma_start3A_1265, %dma_start3A_1266, %dma_start3A_1267, %dma_start3A_1268] : memref<2x5x64x128xf32, #tpu.memory_space<vmem>> -> memref<1x1x64x128xf32, #tpu.memory_space<vmem>>
      %dma_start3A_1270 = tpu.memref_squeeze %dma_start3A_1269 : memref<1x1x64x128xf32, #tpu.memory_space<vmem>> -> memref<64x128xf32, #tpu.memory_space<vmem>>
      %dma_start3A_1271 = arith.constant 0 : i32
      %dma_start3A_1272 = tpu.memref_slice %arg4[%select_n3A_1245, %add3A_1264, %dma_start3A_1271] : memref<50x4096x128xf32, #tpu.memory_space<hbm>> -> memref<1x64x128xf32, #tpu.memory_space<hbm>>
      %dma_start3A_1273 = tpu.memref_squeeze %dma_start3A_1272 : memref<1x64x128xf32, #tpu.memory_space<hbm>> -> memref<64x128xf32, #tpu.memory_space<hbm>>
      %dma_start3A_1274 = arith.constant 0 : i32
      %dma_start3A_1275 = tpu.memref_slice %arg4[%select_n3A_1245, %add3A_1264, %dma_start3A_1274] : memref<50x4096x128xf32, #tpu.memory_space<hbm>> -> memref<1x64x128xf32, #tpu.memory_space<hbm>>
      %dma_start3A_1276 = tpu.memref_squeeze %dma_start3A_1275 : memref<1x64x128xf32, #tpu.memory_space<hbm>> -> memref<64x128xf32, #tpu.memory_space<hbm>>
      %dma_start3A_1277 = arith.constant 0 : i32
      %dma_start3A_1278 = arith.constant 0 : i32
      %dma_start3A_1279 = tpu.memref_slice %arg6[%dma_start3A_1265, %dma_start3A_1266, %dma_start3A_1277, %dma_start3A_1278] : memref<2x5x64x128xf32, #tpu.memory_space<vmem>> -> memref<1x1x64x128xf32, #tpu.memory_space<vmem>>
      %dma_start3A_1280 = tpu.memref_squeeze %dma_start3A_1279 : memref<1x1x64x128xf32, #tpu.memory_space<vmem>> -> memref<64x128xf32, #tpu.memory_space<vmem>>
      tpu.enqueue_dma source(%dma_start3A_1280 : memref<64x128xf32, #tpu.memory_space<vmem>>) target(%dma_start3A_1276 : memref<64x128xf32, #tpu.memory_space<hbm>>) target_semaphore(%arg9 : memref<!tpu.dma_semaphore, #tpu.memory_space<semaphore_mem>>)
      %mul3A_1281 = arith.constant 5 : i32
      %mul3A_1282 = arith.muli %add3A_851, %mul3A_1281 : i32
      %add3A_1283 = arith.constant 4 : i32
      %add3A_1284 = arith.addi %mul3A_1282, %add3A_1283 : i32
      %jit3A_1285 = arith.constant 2 : i32
      %div3A_1286 = arith.divsi %add3A_1284, %jit3A_1285 : i32
      %sign3A_1287 = arith.constant 0 : i32
      %sign3A_1288 = arith.cmpi sgt, %add3A_1284, %sign3A_1287 : i32
      %sign3A_1289 = arith.extui %sign3A_1288 : i1 to i32
      %sign3A_1290 = arith.constant 0 : i32
      %sign3A_1291 = arith.cmpi slt, %add3A_1284, %sign3A_1290 : i32
      %sign3A_1292 = arith.extui %sign3A_1291 : i1 to i32
      %sign3A_1293 = arith.subi %sign3A_1289, %sign3A_1292 : i32
      %sign3A_1294 = arith.constant 0 : i32
      %sign3A_1295 = arith.cmpi sgt, %jit3A_1285, %sign3A_1294 : i32
      %sign3A_1296 = arith.extui %sign3A_1295 : i1 to i32
      %sign3A_1297 = arith.constant 0 : i32
      %sign3A_1298 = arith.cmpi slt, %jit3A_1285, %sign3A_1297 : i32
      %sign3A_1299 = arith.extui %sign3A_1298 : i1 to i32
      %sign3A_1300 = arith.subi %sign3A_1296, %sign3A_1299 : i32
      %ne3A_1301 = arith.cmpi ne, %sign3A_1293, %sign3A_1300 : i32
      %rem3A_1302 = arith.remsi %add3A_1284, %jit3A_1285 : i32
      %ne3A_1303 = arith.constant 0 : i32
      %ne3A_1304 = arith.cmpi ne, %rem3A_1302, %ne3A_1303 : i32
      %and3A_1305 = arith.andi %ne3A_1301, %ne3A_1304 : i1
      %sub3A_1306 = arith.constant 1 : i32
      %sub3A_1307 = arith.subi %div3A_1286, %sub3A_1306 : i32
      %select_n3A_1308 = arith.select %and3A_1305, %sub3A_1307, %div3A_1286 : i32
      %jit3A_1309 = arith.constant 2 : i32
      %eq3A_1310 = arith.constant 0 : i32
      %eq3A_1311 = arith.cmpi eq, %jit3A_1309, %eq3A_1310 : i32
      %jit3A_1312 = arith.constant 1 : i32
      %select_n3A_1313 = arith.select %eq3A_1311, %jit3A_1312, %jit3A_1309 : i32
      %rem3A_1314 = arith.remsi %add3A_1284, %select_n3A_1313 : i32
      %ne3A_1315 = arith.constant 0 : i32
      %ne3A_1316 = arith.cmpi ne, %rem3A_1314, %ne3A_1315 : i32
      %lt3A_1317 = arith.constant 0 : i32
      %lt3A_1318 = arith.cmpi slt, %rem3A_1314, %lt3A_1317 : i32
      %lt3A_1319 = arith.constant 0 : i32
      %lt3A_1320 = arith.cmpi slt, %select_n3A_1313, %lt3A_1319 : i32
      %ne3A_1321 = arith.xori %lt3A_1318, %lt3A_1320 : i1
      %and3A_1322 = arith.andi %ne3A_1321, %ne3A_1316 : i1
      %add3A_1323 = arith.addi %rem3A_1314, %select_n3A_1313 : i32
      %select_n3A_1324 = arith.select %and3A_1322, %add3A_1323, %rem3A_1314 : i32
      %mul3A_1325 = arith.constant 64 : i32
      %mul3A_1326 = arith.muli %select_n3A_1324, %mul3A_1325 : i32
      %add3A_1327 = arith.addi %mul3A_2, %mul3A_1326 : i32
      %dma_start3A_1328 = arith.constant 1 : i32
      %dma_start3A_1329 = arith.constant 4 : i32
      %dma_start3A_1330 = arith.constant 0 : i32
      %dma_start3A_1331 = arith.constant 0 : i32
      %dma_start3A_1332 = tpu.memref_slice %arg6[%dma_start3A_1328, %dma_start3A_1329, %dma_start3A_1330, %dma_start3A_1331] : memref<2x5x64x128xf32, #tpu.memory_space<vmem>> -> memref<1x1x64x128xf32, #tpu.memory_space<vmem>>
      %dma_start3A_1333 = tpu.memref_squeeze %dma_start3A_1332 : memref<1x1x64x128xf32, #tpu.memory_space<vmem>> -> memref<64x128xf32, #tpu.memory_space<vmem>>
      %dma_start3A_1334 = arith.constant 0 : i32
      %dma_start3A_1335 = tpu.memref_slice %arg4[%select_n3A_1308, %add3A_1327, %dma_start3A_1334] : memref<50x4096x128xf32, #tpu.memory_space<hbm>> -> memref<1x64x128xf32, #tpu.memory_space<hbm>>
      %dma_start3A_1336 = tpu.memref_squeeze %dma_start3A_1335 : memref<1x64x128xf32, #tpu.memory_space<hbm>> -> memref<64x128xf32, #tpu.memory_space<hbm>>
      %dma_start3A_1337 = arith.constant 0 : i32
      %dma_start3A_1338 = tpu.memref_slice %arg4[%select_n3A_1308, %add3A_1327, %dma_start3A_1337] : memref<50x4096x128xf32, #tpu.memory_space<hbm>> -> memref<1x64x128xf32, #tpu.memory_space<hbm>>
      %dma_start3A_1339 = tpu.memref_squeeze %dma_start3A_1338 : memref<1x64x128xf32, #tpu.memory_space<hbm>> -> memref<64x128xf32, #tpu.memory_space<hbm>>
      %dma_start3A_1340 = arith.constant 0 : i32
      %dma_start3A_1341 = arith.constant 0 : i32
      %dma_start3A_1342 = tpu.memref_slice %arg6[%dma_start3A_1328, %dma_start3A_1329, %dma_start3A_1340, %dma_start3A_1341] : memref<2x5x64x128xf32, #tpu.memory_space<vmem>> -> memref<1x1x64x128xf32, #tpu.memory_space<vmem>>
      %dma_start3A_1343 = tpu.memref_squeeze %dma_start3A_1342 : memref<1x1x64x128xf32, #tpu.memory_space<vmem>> -> memref<64x128xf32, #tpu.memory_space<vmem>>
      tpu.enqueue_dma source(%dma_start3A_1343 : memref<64x128xf32, #tpu.memory_space<vmem>>) target(%dma_start3A_1339 : memref<64x128xf32, #tpu.memory_space<hbm>>) target_semaphore(%arg9 : memref<!tpu.dma_semaphore, #tpu.memory_space<semaphore_mem>>)
    }
    %scan3A_71 = arith.constant 10 : i32
    %dma_wait3A = arith.constant 1 : i32
    %dma_wait3A_72 = arith.constant 0 : i32
    %dma_wait3A_73 = arith.constant 0 : i32
    %dma_wait3A_74 = arith.constant 0 : i32
    %dma_wait3A_75 = arith.constant 0 : i32
    %dma_wait3A_76 = tpu.memref_slice %arg6[%dma_wait3A, %dma_wait3A_72, %dma_wait3A_74, %dma_wait3A_75] : memref<2x5x64x128xf32, #tpu.memory_space<vmem>> -> memref<1x1x64x128xf32, #tpu.memory_space<vmem>>
    %dma_wait3A_77 = tpu.memref_squeeze %dma_wait3A_76 : memref<1x1x64x128xf32, #tpu.memory_space<vmem>> -> memref<64x128xf32, #tpu.memory_space<vmem>>
    %dma_wait3A_78 = arith.constant 0 : i32
    %dma_wait3A_79 = tpu.memref_slice %arg4[%dma_wait3A_73, %mul3A_2, %dma_wait3A_78] : memref<50x4096x128xf32, #tpu.memory_space<hbm>> -> memref<1x64x128xf32, #tpu.memory_space<hbm>>
    %dma_wait3A_80 = tpu.memref_squeeze %dma_wait3A_79 : memref<1x64x128xf32, #tpu.memory_space<hbm>> -> memref<64x128xf32, #tpu.memory_space<hbm>>
    %dma_wait3A_81 = arith.constant 0 : i32
    %dma_wait3A_82 = tpu.memref_slice %arg4[%dma_wait3A_73, %mul3A_2, %dma_wait3A_81] : memref<50x4096x128xf32, #tpu.memory_space<hbm>> -> memref<1x64x128xf32, #tpu.memory_space<hbm>>
    %dma_wait3A_83 = tpu.memref_squeeze %dma_wait3A_82 : memref<1x64x128xf32, #tpu.memory_space<hbm>> -> memref<64x128xf32, #tpu.memory_space<hbm>>
    %dma_wait3A_84 = arith.constant 0 : i32
    %dma_wait3A_85 = arith.constant 0 : i32
    %dma_wait3A_86 = tpu.memref_slice %arg6[%dma_wait3A, %dma_wait3A_72, %dma_wait3A_84, %dma_wait3A_85] : memref<2x5x64x128xf32, #tpu.memory_space<vmem>> -> memref<1x1x64x128xf32, #tpu.memory_space<vmem>>
    %dma_wait3A_87 = tpu.memref_squeeze %dma_wait3A_86 : memref<1x1x64x128xf32, #tpu.memory_space<vmem>> -> memref<64x128xf32, #tpu.memory_space<vmem>>
    tpu.wait_dma2 semaphore(%arg9 : memref<!tpu.dma_semaphore, #tpu.memory_space<semaphore_mem>>) src(%dma_wait3A_87 : memref<64x128xf32, #tpu.memory_space<vmem>>) dst(%dma_wait3A_83 : memref<64x128xf32, #tpu.memory_space<hbm>>)
    %dma_wait3A_88 = arith.constant 1 : i32
    %dma_wait3A_89 = arith.constant 1 : i32
    %dma_wait3A_90 = arith.constant 0 : i32
    %dma_wait3A_91 = arith.constant 0 : i32
    %dma_wait3A_92 = arith.constant 0 : i32
    %dma_wait3A_93 = tpu.memref_slice %arg6[%dma_wait3A_88, %dma_wait3A_89, %dma_wait3A_91, %dma_wait3A_92] : memref<2x5x64x128xf32, #tpu.memory_space<vmem>> -> memref<1x1x64x128xf32, #tpu.memory_space<vmem>>
    %dma_wait3A_94 = tpu.memref_squeeze %dma_wait3A_93 : memref<1x1x64x128xf32, #tpu.memory_space<vmem>> -> memref<64x128xf32, #tpu.memory_space<vmem>>
    %dma_wait3A_95 = arith.constant 0 : i32
    %dma_wait3A_96 = tpu.memref_slice %arg4[%dma_wait3A_90, %mul3A_2, %dma_wait3A_95] : memref<50x4096x128xf32, #tpu.memory_space<hbm>> -> memref<1x64x128xf32, #tpu.memory_space<hbm>>
    %dma_wait3A_97 = tpu.memref_squeeze %dma_wait3A_96 : memref<1x64x128xf32, #tpu.memory_space<hbm>> -> memref<64x128xf32, #tpu.memory_space<hbm>>
    %dma_wait3A_98 = arith.constant 0 : i32
    %dma_wait3A_99 = tpu.memref_slice %arg4[%dma_wait3A_90, %mul3A_2, %dma_wait3A_98] : memref<50x4096x128xf32, #tpu.memory_space<hbm>> -> memref<1x64x128xf32, #tpu.memory_space<hbm>>
    %dma_wait3A_100 = tpu.memref_squeeze %dma_wait3A_99 : memref<1x64x128xf32, #tpu.memory_space<hbm>> -> memref<64x128xf32, #tpu.memory_space<hbm>>
    %dma_wait3A_101 = arith.constant 0 : i32
    %dma_wait3A_102 = arith.constant 0 : i32
    %dma_wait3A_103 = tpu.memref_slice %arg6[%dma_wait3A_88, %dma_wait3A_89, %dma_wait3A_101, %dma_wait3A_102] : memref<2x5x64x128xf32, #tpu.memory_space<vmem>> -> memref<1x1x64x128xf32, #tpu.memory_space<vmem>>
    %dma_wait3A_104 = tpu.memref_squeeze %dma_wait3A_103 : memref<1x1x64x128xf32, #tpu.memory_space<vmem>> -> memref<64x128xf32, #tpu.memory_space<vmem>>
    tpu.wait_dma2 semaphore(%arg9 : memref<!tpu.dma_semaphore, #tpu.memory_space<semaphore_mem>>) src(%dma_wait3A_104 : memref<64x128xf32, #tpu.memory_space<vmem>>) dst(%dma_wait3A_100 : memref<64x128xf32, #tpu.memory_space<hbm>>)
    %dma_wait3A_105 = arith.constant 1 : i32
    %dma_wait3A_106 = arith.constant 2 : i32
    %dma_wait3A_107 = arith.constant 0 : i32
    %dma_wait3A_108 = arith.constant 0 : i32
    %dma_wait3A_109 = arith.constant 0 : i32
    %dma_wait3A_110 = tpu.memref_slice %arg6[%dma_wait3A_105, %dma_wait3A_106, %dma_wait3A_108, %dma_wait3A_109] : memref<2x5x64x128xf32, #tpu.memory_space<vmem>> -> memref<1x1x64x128xf32, #tpu.memory_space<vmem>>
    %dma_wait3A_111 = tpu.memref_squeeze %dma_wait3A_110 : memref<1x1x64x128xf32, #tpu.memory_space<vmem>> -> memref<64x128xf32, #tpu.memory_space<vmem>>
    %dma_wait3A_112 = arith.constant 0 : i32
    %dma_wait3A_113 = tpu.memref_slice %arg4[%dma_wait3A_107, %mul3A_2, %dma_wait3A_112] : memref<50x4096x128xf32, #tpu.memory_space<hbm>> -> memref<1x64x128xf32, #tpu.memory_space<hbm>>
    %dma_wait3A_114 = tpu.memref_squeeze %dma_wait3A_113 : memref<1x64x128xf32, #tpu.memory_space<hbm>> -> memref<64x128xf32, #tpu.memory_space<hbm>>
    %dma_wait3A_115 = arith.constant 0 : i32
    %dma_wait3A_116 = tpu.memref_slice %arg4[%dma_wait3A_107, %mul3A_2, %dma_wait3A_115] : memref<50x4096x128xf32, #tpu.memory_space<hbm>> -> memref<1x64x128xf32, #tpu.memory_space<hbm>>
    %dma_wait3A_117 = tpu.memref_squeeze %dma_wait3A_116 : memref<1x64x128xf32, #tpu.memory_space<hbm>> -> memref<64x128xf32, #tpu.memory_space<hbm>>
    %dma_wait3A_118 = arith.constant 0 : i32
    %dma_wait3A_119 = arith.constant 0 : i32
    %dma_wait3A_120 = tpu.memref_slice %arg6[%dma_wait3A_105, %dma_wait3A_106, %dma_wait3A_118, %dma_wait3A_119] : memref<2x5x64x128xf32, #tpu.memory_space<vmem>> -> memref<1x1x64x128xf32, #tpu.memory_space<vmem>>
    %dma_wait3A_121 = tpu.memref_squeeze %dma_wait3A_120 : memref<1x1x64x128xf32, #tpu.memory_space<vmem>> -> memref<64x128xf32, #tpu.memory_space<vmem>>
    tpu.wait_dma2 semaphore(%arg9 : memref<!tpu.dma_semaphore, #tpu.memory_space<semaphore_mem>>) src(%dma_wait3A_121 : memref<64x128xf32, #tpu.memory_space<vmem>>) dst(%dma_wait3A_117 : memref<64x128xf32, #tpu.memory_space<hbm>>)
    %dma_wait3A_122 = arith.constant 1 : i32
    %dma_wait3A_123 = arith.constant 3 : i32
    %dma_wait3A_124 = arith.constant 0 : i32
    %dma_wait3A_125 = arith.constant 0 : i32
    %dma_wait3A_126 = arith.constant 0 : i32
    %dma_wait3A_127 = tpu.memref_slice %arg6[%dma_wait3A_122, %dma_wait3A_123, %dma_wait3A_125, %dma_wait3A_126] : memref<2x5x64x128xf32, #tpu.memory_space<vmem>> -> memref<1x1x64x128xf32, #tpu.memory_space<vmem>>
    %dma_wait3A_128 = tpu.memref_squeeze %dma_wait3A_127 : memref<1x1x64x128xf32, #tpu.memory_space<vmem>> -> memref<64x128xf32, #tpu.memory_space<vmem>>
    %dma_wait3A_129 = arith.constant 0 : i32
    %dma_wait3A_130 = tpu.memref_slice %arg4[%dma_wait3A_124, %mul3A_2, %dma_wait3A_129] : memref<50x4096x128xf32, #tpu.memory_space<hbm>> -> memref<1x64x128xf32, #tpu.memory_space<hbm>>
    %dma_wait3A_131 = tpu.memref_squeeze %dma_wait3A_130 : memref<1x64x128xf32, #tpu.memory_space<hbm>> -> memref<64x128xf32, #tpu.memory_space<hbm>>
    %dma_wait3A_132 = arith.constant 0 : i32
    %dma_wait3A_133 = tpu.memref_slice %arg4[%dma_wait3A_124, %mul3A_2, %dma_wait3A_132] : memref<50x4096x128xf32, #tpu.memory_space<hbm>> -> memref<1x64x128xf32, #tpu.memory_space<hbm>>
    %dma_wait3A_134 = tpu.memref_squeeze %dma_wait3A_133 : memref<1x64x128xf32, #tpu.memory_space<hbm>> -> memref<64x128xf32, #tpu.memory_space<hbm>>
    %dma_wait3A_135 = arith.constant 0 : i32
    %dma_wait3A_136 = arith.constant 0 : i32
    %dma_wait3A_137 = tpu.memref_slice %arg6[%dma_wait3A_122, %dma_wait3A_123, %dma_wait3A_135, %dma_wait3A_136] : memref<2x5x64x128xf32, #tpu.memory_space<vmem>> -> memref<1x1x64x128xf32, #tpu.memory_space<vmem>>
    %dma_wait3A_138 = tpu.memref_squeeze %dma_wait3A_137 : memref<1x1x64x128xf32, #tpu.memory_space<vmem>> -> memref<64x128xf32, #tpu.memory_space<vmem>>
    tpu.wait_dma2 semaphore(%arg9 : memref<!tpu.dma_semaphore, #tpu.memory_space<semaphore_mem>>) src(%dma_wait3A_138 : memref<64x128xf32, #tpu.memory_space<vmem>>) dst(%dma_wait3A_134 : memref<64x128xf32, #tpu.memory_space<hbm>>)
    %dma_wait3A_139 = arith.constant 1 : i32
    %dma_wait3A_140 = arith.constant 4 : i32
    %dma_wait3A_141 = arith.constant 0 : i32
    %dma_wait3A_142 = arith.constant 0 : i32
    %dma_wait3A_143 = arith.constant 0 : i32
    %dma_wait3A_144 = tpu.memref_slice %arg6[%dma_wait3A_139, %dma_wait3A_140, %dma_wait3A_142, %dma_wait3A_143] : memref<2x5x64x128xf32, #tpu.memory_space<vmem>> -> memref<1x1x64x128xf32, #tpu.memory_space<vmem>>
    %dma_wait3A_145 = tpu.memref_squeeze %dma_wait3A_144 : memref<1x1x64x128xf32, #tpu.memory_space<vmem>> -> memref<64x128xf32, #tpu.memory_space<vmem>>
    %dma_wait3A_146 = arith.constant 0 : i32
    %dma_wait3A_147 = tpu.memref_slice %arg4[%dma_wait3A_141, %mul3A_2, %dma_wait3A_146] : memref<50x4096x128xf32, #tpu.memory_space<hbm>> -> memref<1x64x128xf32, #tpu.memory_space<hbm>>
    %dma_wait3A_148 = tpu.memref_squeeze %dma_wait3A_147 : memref<1x64x128xf32, #tpu.memory_space<hbm>> -> memref<64x128xf32, #tpu.memory_space<hbm>>
    %dma_wait3A_149 = arith.constant 0 : i32
    %dma_wait3A_150 = tpu.memref_slice %arg4[%dma_wait3A_141, %mul3A_2, %dma_wait3A_149] : memref<50x4096x128xf32, #tpu.memory_space<hbm>> -> memref<1x64x128xf32, #tpu.memory_space<hbm>>
    %dma_wait3A_151 = tpu.memref_squeeze %dma_wait3A_150 : memref<1x64x128xf32, #tpu.memory_space<hbm>> -> memref<64x128xf32, #tpu.memory_space<hbm>>
    %dma_wait3A_152 = arith.constant 0 : i32
    %dma_wait3A_153 = arith.constant 0 : i32
    %dma_wait3A_154 = tpu.memref_slice %arg6[%dma_wait3A_139, %dma_wait3A_140, %dma_wait3A_152, %dma_wait3A_153] : memref<2x5x64x128xf32, #tpu.memory_space<vmem>> -> memref<1x1x64x128xf32, #tpu.memory_space<vmem>>
    %dma_wait3A_155 = tpu.memref_squeeze %dma_wait3A_154 : memref<1x1x64x128xf32, #tpu.memory_space<vmem>> -> memref<64x128xf32, #tpu.memory_space<vmem>>
    tpu.wait_dma2 semaphore(%arg9 : memref<!tpu.dma_semaphore, #tpu.memory_space<semaphore_mem>>) src(%dma_wait3A_155 : memref<64x128xf32, #tpu.memory_space<vmem>>) dst(%dma_wait3A_151 : memref<64x128xf32, #tpu.memory_space<hbm>>)
    return
  }
}

</mosaic_0001>

<sc_bundles>
// kernel: kernel.3.cloned.1.call-start
scs
__scs_entry_jumppad:
0x0: {  	(pc) =	sbr.rel $0x88, $3  }
0x1: {  	(tag) =	ssettag $0x0;
	lr =	simm.s32 $0x1  }
0x2: {  	[smem:$0x3F9F] =	sst lr;
	_ =	strace $0xD0000000  }
0x3: {  	_ = 	snop  }
0x4: {  	_ = 	snop  }
0x5: {  	_ = 	snop  }
0x6: {  	_ = 	snop  }
0x7: {  	_ = 	snop  }
__scs_overlays_trampoline_lowered:
0x8: {  	[smem:$0x3FAE] =	sst s0  }
0x9: {  	[smem:$0x3FAF] =	sst s1  }
0xa: {  	[smem:$0x3FB0] =	sst s2  }
0xb: {  	[smem:$0x3FB1] =	sst s3  }
0xc: {  	[smem:$0x3FB2] =	sst s4  }
0xd: {  	[smem:$0x3FB3] =	sst s5  }
0xe: {  	[smem:$0x3FB4] =	sst s6  }
0xf: {  	[smem:$0x3FB5] =	sst s7  }
0x10: {  	[smem:$0x3FB6] =	sst s8  }
0x11: {  	[smem:$0x3FB7] =	sst s9;
	s0 =	simm.s32 @!p0 $0x0  }
0x12: {  	s1 =	sld [smem:$0x3F9D];
	s0 =	simm.s32 @p0 $0x1  }
0x13: {  	[smem:$0x3FB8] =	sst s0;
	s0 =	simm.s32 @!p1 $0x0  }
0x14: {  	s2 =	sld [smem:$0x3F9C];
	s0 =	simm.s32 @p1 $0x1  }
0x15: {  	[smem:$0x3FB9] =	sst s0;
	s0 =	simm.s32 @!p2 $0x0  }
0x16: {  	s3 =	sld [smem:$0x3FDB];
	s0 =	simm.s32 @p2 $0x1  }
0x17: {  	s4 =	simm.s32 $0x1BF5;
	[smem:$0x3FBB] =	sst s0  }
0x18: {  	s0 =	sld [smem:$0x3F9E];
	_ =	swait.ge [sflag:s4], $0x0  }
0x19: {  	s7 =	sld [smem:$0x3F9F]  }
0x1a: {  	s8 =	sadd.s32 $0xFFFFE003, lr  }
0x1b: {  	s9 =	sadd.s32 $0xFFFFFEF7, lr;
	s5 =	simm.s32 $0xFFFFFFFF;
	p2 =	slt.u32 s8, $0xFFFFF086  }
0x1c: {  	p1 =	slt.u32 s9, $0xF7A;
	s5 =	simm.s32 @!p2 $0x0  }
0x1d: {  	s5 =	simm.s32 @p1 $0x1;
	p0 =	seq.s32 s7, s2  }
0x1e: {  	s7 =	smul.u32 @!p0 $0xF7A, s2;
	p2 =	seq.s32 @!p0 s5, $0x0  }
0x1f: {  	s9 =	smul.u32 $0xF7A, s1;
	s8 =	simm.s32 @!p0 $0x1BF5;
	p2 =	por !p2, p0  }
0x20: {  	[sflag:s8] =	ssyncset.s32 @!p0 $0xFFFFF086;
	s6 =	sadd.s32 @!p0 s3, s7;
	s7 =	simm.s32 @!p0 $0x108  }
0x21: {  	s3 =	sadd.s32 s3, s9;
	s6 =	sadd.s32 @!p0 $0x88, s6;
	s7 =	simm.s32 @p2 $0x1082  }
0x22: {  	[simem:s7], [sflag:s8] =	dma.local @!p0 [hbm:s6], $0xF7A  }
0x23: {  	s9 =	sor.u32 $0xD0000000, s2;
	s6 =	simm.s32 $0x108;
	_ =	swait.ge @!p0 [sflag:s8], $0x0  }
0x24: {  	s3 =	sadd.s32 $0x88, s3;
	s6 =	simm.s32 @!p1 $0x1082;
	[sflag:s4] =	ssyncset.s32 $0xFFFFF086  }
0x25: {  	[simem:s6], [sflag:s4] =	dma.local [hbm:s3], $0xF7A  }
0x26: {  	[smem:$0x3F9F] =	sst s1;
	(tag) =	ssettag s2;
	_ =	strace s9  }
0x27: {  	s1 =	sld [smem:$0x3FAF]  }
0x28: {  	s2 =	sld [smem:$0x3FB0]  }
0x29: {  	s4 =	sld [smem:$0x3FB2]  }
0x2a: {  	p0 =	seq.s32 s5, $0x0;
	s5 =	sld [smem:$0x3FB3]  }
0x2b: {  	s6 =	sld [smem:$0x3FB4]  }
0x2c: {  	s7 =	sld [smem:$0x3FB5]  }
0x2d: {  	s3 =	simm.s32 $0x108;
	s8 =	sld [smem:$0x3FB6]  }
0x2e: {  	s3 =	simm.s32 @!p0 $0x1082;
	s9 =	sld [smem:$0x3FB7]  }
0x2f: {  	lr =	sadd.s32 s0, s3;
	s0 =	sld [smem:$0x3FAE]  }
0x30: {  	s3 =	sld [smem:$0x3FB1]  }
0x31: {  	[smem:$0x3FBA] =	sst s10  }
0x32: {  	s10 =	sld [smem:$0x3FB8];
	_ =	sdelay $0x3  }
0x33: {  	p0 =	seq.s32 s10, $0x1;
	s10 =	sld [smem:$0x3FBA];
	_ =	sdelay $0x3  }
0x34: {  	[smem:$0x3FBA] =	sst s10  }
0x35: {  	s10 =	sld [smem:$0x3FB9];
	_ =	sdelay $0x3  }
0x36: {  	p1 =	seq.s32 s10, $0x1;
	s10 =	sld [smem:$0x3FBA];
	_ =	sdelay $0x3  }
0x37: {  	[smem:$0x3FBA] =	sst s10  }
0x38: {  	s10 =	sld [smem:$0x3FBB]  }
0x39: {  	_ = 	snop;
	(pc) =	sbr.ind lr, $3  }
0x3a: {  	_ = 	snop  }
0x3b: {  	_ = 	snop  }
0x3c: {  	p2 =	seq.s32 s10, $0x1;
	s10 =	sld [smem:$0x3FBA]  }
0x3d: {  	_ =	shalt  }
0x3e: {  	_ =	shalt  }
0x3f: {  	_ =	shalt  }
0x40: {  	_ =	shalt  }
0x41: {  	_ =	shalt  }
0x42: {  	_ =	shalt  }
0x43: {  	_ =	shalt  }
0x44: {  	_ =	shalt  }
0x45: {  	_ =	shalt  }
0x46: {  	_ =	shalt  }
0x47: {  	_ =	shalt  }
0x48: {  	_ =	shalt  }
0x49: {  	_ =	shalt  }
0x4a: {  	_ =	shalt  }
0x4b: {  	_ =	shalt  }
0x4c: {  	_ =	shalt  }
0x4d: {  	_ =	shalt  }
0x4e: {  	_ =	shalt  }
0x4f: {  	_ =	shalt  }
0x50: {  	_ =	shalt  }
0x51: {  	_ =	shalt  }
0x52: {  	_ =	shalt  }
0x53: {  	_ =	shalt  }
0x54: {  	_ =	shalt  }
0x55: {  	_ =	shalt  }
0x56: {  	_ =	shalt  }
0x57: {  	_ =	shalt  }
0x58: {  	_ =	shalt  }
0x59: {  	_ =	shalt  }
0x5a: {  	_ =	shalt  }
0x5b: {  	_ =	shalt  }
0x5c: {  	_ =	shalt  }
0x5d: {  	_ =	shalt  }
0x5e: {  	_ =	shalt  }
0x5f: {  	_ =	shalt  }
0x60: {  	_ =	shalt  }
0x61: {  	_ =	shalt  }
0x62: {  	_ =	shalt  }
0x63: {  	_ =	shalt  }
0x64: {  	_ =	shalt  }
0x65: {  	_ =	shalt  }
0x66: {  	_ =	shalt  }
0x67: {  	_ =	shalt  }
0x68: {  	_ =	shalt  }
0x69: {  	_ =	shalt  }
0x6a: {  	_ =	shalt  }
0x6b: {  	_ =	shalt  }
0x6c: {  	_ =	shalt  }
0x6d: {  	_ =	shalt  }
0x6e: {  	_ =	shalt  }
0x6f: {  	_ =	shalt  }
0x70: {  	_ =	shalt  }
0x71: {  	_ =	shalt  }
0x72: {  	_ =	shalt  }
0x73: {  	_ =	shalt  }
0x74: {  	_ =	shalt  }
0x75: {  	_ =	shalt  }
0x76: {  	_ =	shalt  }
0x77: {  	_ =	shalt  }
0x78: {  	_ =	shalt  }
0x79: {  	_ =	shalt  }
0x7a: {  	_ =	shalt  }
0x7b: {  	_ =	shalt  }
0x7c: {  	_ =	shalt  }
0x7d: {  	_ =	shalt  }
0x7e: {  	_ =	shalt  }
0x7f: {  	_ =	shalt  }
0x80: {  	_ =	shalt  }
0x81: {  	_ =	shalt  }
0x82: {  	_ =	shalt  }
0x83: {  	_ =	shalt  }
0x84: {  	_ =	shalt  }
0x85: {  	_ =	shalt  }
0x86: {  	_ =	shalt  }
0x87: {  	_ =	shalt  }
.Lfunc_end0:
.L_simem_size_0:
called_computation_lowered:
.L_overlay_start_0:
0x88: {  	s2 =	sld [smem:$0x3FD9]  }
0x89: {  	s3 =	sld [smem:$0x3FFE];
	_ =	sdelay $0x1  }
0x8a: {  	s1 =	srdreg.scid  }
0x8b: {  	s0 =	sand.u32 $0x1, s1  }
0x8c: {  	s18 =	sshll.u32 s0, $0xA;
	s2 =	sadd.s32 s3, s2  }
0x8d: {  	s2 =	sadd.s32 s2, s18  }
0x8e: {  	[smem:$0x3FC6] =	sst s2  }
0x8f: {  	_ = 	snop  }
0x90: {  	s2 =	sld [smem:$0x3FC9]  }
0x91: {  	s19 =	sld [smem:$0x3FC8]  }
0x92: {  	s4 =	sld [smem:$0x3FD0];
	(tm) =	ssettm $0x1  }
0x93: {  	s5 =	sld [smem:$0x3FFB];
	_ =	sdelay $0x3  }
0x94: {  	_ =	strace s5  }
0x95: {  	s5 =	sld [smem:$0x3FFC];
	_ =	sdelay $0x3  }
0x96: {  	_ =	strace s5  }
0x97: {  	s5 =	sld [smem:$0x3FFD];
	_ =	sdelay $0x3  }
0x98: {  	_ =	strace s5  }
0x99: {  	_ =	strace $0x8FFFFFFF  }
0x9a: {  	s20 =	sld [smem:$0x3FDB];
	_ =	sdelay $0x1  }
0x9b: {  	s6 =	simm.s32 $_scs_section_size  }
0x9c: {  	s7 =	simm.s32 $_size__tile_overlayer_lowered;
	s8 =	simm.s32 $_tile_overlayer_lowered  }
0x9d: {  	s23 =	simm.s32 $0x1BFF;
	s22 =	sshll.u32 s8, $0x1;
	s5 =	sadd.s32 s6, s20  }
0x9e: {  	s9 =	simm.s32 $0x0;
	s21 =	sshll.u32 s7, $0x1;
	s7 =	sadd.s32 s22, s5  }
0x9f: {  	[timem:s9], [sflag:s23] =	dma.local [hbm:s7], s21  }
0xa0: {  	_ =	swait.ge [sflag:s23], s21  }
0xa1: {  	s6 =	ssub.s32 $0x0, s21;
	[sflag:s23] =	ssyncset.done $0x0  }
0xa2: {  	[sflag:s23] =	ssyncadd.s32 s6;
	_ =	sdelay $0x1  }
0xa3: {  	s24 =	simm.s32 $0x1B8B  }
0xa4: {  	_ =	swait.ge [sflag:s24], $0x1  }
0xa5: {  	[sflag:s24] =	ssyncset.done $0x0  }
0xa6: {  	s25 =	simm.s32 $0x1B8E;
	[sflag:s24] =	ssyncadd.s32 $0xFFFFFFFF  }
0xa7: {  	s26 =	simm.s32 $execute0_lowered;
	[smem:$0x3FD2] =	sst s25  }
0xa8: {  	s6 =	sshll.u32 s26, $0x1;
	_ =	strace $0x80000046;
	[dreg:$0x1] =	wrdreg $0xFFFFFFFF  }
0xa9: {  	s28 =	simm.s32 $_size_execute0_lowered;
	s5 =	sadd.s32 s5, s6;
	[dreg:$0x0] =	wrdreg $0x0  }
0xaa: {  	s6 =	sshll.u32 s28, $0x1;
	[dreg:$0x2] =	wrdreg s5  }
0xab: {  	[dreg:$0x3] =	wrdreg s6  }
0xac: {  	[dreg:$0x4] =	wrdreg $0xC0  }
0xad: {  	_ =	task [dreg:s9], $0x5FFFF  }
0xae: {  	[dreg:$0x1] =	wrdreg $0xFFFFFFFF  }
0xaf: {  	[dreg:$0x0] =	wrdreg $0x60  }
0xb0: {  	[dreg:$0x2] =	wrdreg s19  }
0xb1: {  	[dreg:$0x3] =	wrdreg s2  }
0xb2: {  	[dreg:$0x4] =	wrdreg s4  }
0xb3: {  	[dreg:$0x5] =	wrdreg $0x9  }
0xb4: {  	_ =	task.clear_ibuf [dreg:s9], $0x6FFFF;
	_ =	strace $0x90000046  }
0xb5: {  	s29 =	simm.s32 $0x9;
	_ =	strace $0x80000048  }
0xb6: {  	_ =	swait.ge [sflag:s29], $0x1  }
0xb7: {  	[sflag:s29] =	ssyncadd.s32 $0xFFFFFFFF  }
0xb8: {  	_ =	strace $0x90000048  }
0xb9: {  	_ =	sfence  }
0xba: {  	s30 =	sld [smem:$0x0];
	_ =	sdelay $0x2  }
0xbb: {  	s31 =	sshll.u32 s1, $0xD;
	s1 =	sshrl.u32 s1, $0x2  }
0xbc: {  	s3 =	sand.u32 $0x4000, s31;
	s1 =	sadd.s32 s1, s30  }
0xbd: {  	s0 =	sor.u32 s3, s0;
	s1 =	sshll.u32 s1, $0x11  }
0xbe: {  	s0 =	sor.u32 s1, s0  }
0xbf: {  	s0 =	sadd.s32 $0x8F2B, s0  }
0xc0: {  	[sflag:s0] =	ssyncadd.remote.s32 $0x1  }
0xc1: {  	_ =	sfence.sel $0xFFFF  }
0xc2: {  	[dreg:$0x0] =	wrdreg $0xFFFFFFFF;
	(pc) =	sbr.abs _section_cstart, $3  }
0xc3: {  	[dreg:$0x1] =	wrdreg $0xFFFFFFFF  }
0xc4: {  	_ =	task.clear_ibuf [dreg:s9], $0x2FFFF;
	_ =	strace $0x9FFFFFFF  }
0xc5: {  	(tm) =	ssettm $0x7FFFFFFF  }
tec
execute0_lowered:
.L_overlay_start_1:
0x0: {  	(tag) =	ssettag $0x1  }
0x1: {  	s1 =	rddreg [dreg:$0x0]  }
0x2: {  	s0 =	rddreg [dreg:$0x1]  }
0x3: {  	s3 =	rddreg [dreg:$0x2];
	s2 =	srdreg.scid  }
0x4: {  	s4 =	simm.s32 $0x0;
	s12 =	stileid.u32;
	s13 =	simm.s32 $0x1C00  }
0x5: {  	s14 =	simm.s32 $0x3C00;
	s16 =	simm.s32 $0x5C00;
	s18 =	simm.s32 $0x7C00  }
0x6: {  	s28 =	simm.s32 $0x3;
	s29 =	simm.s32 $0x2;
	s30 =	simm.s32 $0x0  }
0x7: {  	s2 =	sand.u32 $0x1, s2;
	[smem:$0x7FF] =	sst s4;
	s5 =	sshll.u32 s12, $0xF  }
0x8: {  	s8 =	sshll.u32 s12, $0x8;
	s26 =	sshll.u32 s12, $0xC;
	s12 =	simm.s32 $0x40  }
0x9: {  	s6 =	sshll.u32 s2, $0xE;
	_ =	strace $0x80000047;
	s7 =	ssub.s32 $0x2, s2  }
0xa: {  	s10 =	sshll.u32 s2, $0x7;
	s2 =	sshll.u32 s2, $0xB;
	s6 =	sor.u32 s6, s5  }
0xb: {  	s19 =	sshrl.u32 s7, $0x1;
	s8 =	sor.u32 s10, s8;
	s31 =	sor.u32 s2, s26  }
0xc: {  	s26 =	simm.s32 $0x1;
	s9 =	sor.u32 $0x100000, s6;
	s11 =	sor.u32 $0x82000, s6  }
0xd: {  	s21 =	sor.u32 $0x80000, s6;
	s23 =	sor.u32 $0x2000, s6;
	s7 =	ssub.s32 s7, s19  }
0xe: {  	s5 =	sadd.s32 s0, s8;
	s25 =	sshrl.u32 s6, $0x3;
	[dreg:$0x9] =	wrdreg s31  }
0xf: {  	s9 =	sshrl.u32 s9, $0x3;
	s20 =	sshrl.u32 s11, $0x3;
	[dreg:$0x8] =	wrdreg s25  }
0x10: {  	s22 =	sshrl.u32 s21, $0x3;
	s24 =	sshrl.u32 s23, $0x3;
	[dreg:$0x4] =	wrdreg s9  }
0x11: {  	s6 =	sadd.s32 $0x6000, s5;
	s7 =	smax.u32 s7, $0x1;
	[dreg:$0x5] =	wrdreg s20  }
0x12: {  	s11 =	simm.s32 $0x4;
	s21 =	simm.s32 $0xBC00;
	[dreg:$0x6] =	wrdreg s22  }
0x13: {  	s23 =	simm.s32 $0xFC00;
	s25 =	simm.s32 $0x13C00;
	[dreg:$0x7] =	wrdreg s24  }
0x14: {  	s20 =	simm.s32 $0x9C00;
	s22 =	simm.s32 $0xDC00;
	s24 =	simm.s32 $0x11C00  }
.LBB2_1:
0x15: {  	s0 =	simm.s32 $0x400;
	s2 =	simm.s32 $0x8000  }
0x16: {  	[tilespmem:s4], [sflag:$0x4] =	stream.strided.gather [hbm4b:s5+s0], $0x1800, s2, s0, $0x38;
	[tilespmem:$0x15C00] =	vst v63  }
0x17: {  	s19 =	simm.s32 $0x1800  }
0x18: {  	[tilespmem:s19], [sflag:$0x4] =	stream.linear.gather [hbm4b:s6+s4], $0x100, $0x38;
	[tilespmem:$0x15C00] =	vst v63  }
0x19: {  	_ =	swait.ge [sflag:s11], $0x1900  }
0x1a: {  	[sflag:s11] =	ssyncset.done $0x0  }
0x1b: {  	[sflag:s11] =	ssyncadd.s32 $0xFFFFE700  }
0x1c: {  	[tilespmem:s13], [sflag:$0x1] =	stream.indirect.gather [hbm4b:s1+s12], $0x80, s4, s12, $0xb8;
	[tilespmem:$0x15C00] =	vst v63  }
0x1d: {  	_ = 	snop  }
0x1e: {  	[tilespmem:s14], [sflag:$0x1] =	stream.indirect.gather [hbm4b:s1+s12], $0x80, s12, s12, $0xb8;
	[tilespmem:$0x15C00] =	vst v63  }
0x1f: {  	p0 =	por $0x1, $0x1;
	s2 =	simm.s32 $0x80  }
0x20: {  	[tilespmem:s16], [sflag:$0x1] =	stream.indirect.gather [hbm4b:s1+s12], $0x80, s2, s12, $0xb8;
	[tilespmem:$0x15C00] =	vst v63  }
0x21: {  	s8 =	simm.s32 $0xC0;
	p0 =	por p0, p0  }
0x22: {  	[tilespmem:s18], [sflag:$0x1] =	stream.indirect.gather [hbm4b:s1+s12], $0x80, s8, s12, $0xb8;
	[tilespmem:$0x15C00] =	vst v63  }
0x23: {  	s9 =	simm.s32 $0x100;
	s0 =	simm.s32 @!p0 $0x3  }
0x24: {  	[tilespmem:s20], [sflag:$0x1] =	stream.indirect.gather [hbm4b:s1+s12], $0x80, s9, s12, $0xb8;
	[tilespmem:$0x15C00] =	vst v63  }
0x25: {  	_ =	swait.ge @!p0 [sflag:s0], $0x2000  }
0x26: {  	[sflag:s0] =	ssyncset.done @!p0 $0x0  }
0x27: {  	[sflag:s0] =	ssyncadd.s32 @!p0 $0xFFFFE000  }
0x28: {  	_ =	swait.ge @!p0 [sflag:s0], $0x2000  }
0x29: {  	[sflag:s0] =	ssyncset.done @!p0 $0x0  }
0x2a: {  	[sflag:s0] =	ssyncadd.s32 @!p0 $0xFFFFE000  }
0x2b: {  	_ =	swait.ge @!p0 [sflag:s0], $0x2000  }
0x2c: {  	[sflag:s0] =	ssyncset.done @!p0 $0x0  }
0x2d: {  	[sflag:s0] =	ssyncadd.s32 @!p0 $0xFFFFE000  }
0x2e: {  	_ =	swait.ge @!p0 [sflag:s0], $0x2000  }
0x2f: {  	[sflag:s0] =	ssyncset.done @!p0 $0x0  }
0x30: {  	[sflag:s0] =	ssyncadd.s32 @!p0 $0xFFFFE000  }
0x31: {  	_ =	swait.ge @!p0 [sflag:s0], $0x2000  }
0x32: {  	[sflag:s0] =	ssyncset.done @!p0 $0x0  }
0x33: {  	s10 =	simm.s32 $0x140;
	[sflag:s0] =	ssyncadd.s32 @!p0 $0xFFFFE000  }
0x34: {  	[tilespmem:s21], [sflag:$0x2] =	stream.indirect.gather [hbm4b:s1+s12], $0x80, s10, s12, $0xb8;
	[tilespmem:$0x15C00] =	vst v63  }
0x35: {  	s15 =	simm.s32 $0x180  }
0x36: {  	[tilespmem:s22], [sflag:$0x2] =	stream.indirect.gather [hbm4b:s1+s12], $0x80, s15, s12, $0xb8;
	[tilespmem:$0x15C00] =	vst v63  }
0x37: {  	s17 =	simm.s32 $0x1C0  }
0x38: {  	[tilespmem:s23], [sflag:$0x2] =	stream.indirect.gather [hbm4b:s1+s12], $0x80, s17, s12, $0xb8;
	[tilespmem:$0x15C00] =	vst v63  }
0x39: {  	s19 =	simm.s32 $0x200  }
0x3a: {  	[tilespmem:s24], [sflag:$0x2] =	stream.indirect.gather [hbm4b:s1+s12], $0x80, s19, s12, $0xb8;
	[tilespmem:$0x15C00] =	vst v63  }
0x3b: {  	s2 =	simm.s32 $0x240  }
0x3c: {  	[tilespmem:s25], [sflag:$0x2] =	stream.indirect.gather [hbm4b:s1+s12], $0x80, s2, s12, $0xb8;
	[tilespmem:$0x15C00] =	vst v63  }
0x3d: {  	_ =	swait.ge [sflag:s26], $0x2000  }
0x3e: {  	[sflag:s26] =	ssyncset.done $0x0  }
0x3f: {  	[sflag:s26] =	ssyncadd.s32 $0xFFFFE000  }
0x40: {  	_ =	swait.ge [sflag:s26], $0x2000  }
0x41: {  	[sflag:s26] =	ssyncset.done $0x0  }
0x42: {  	[sflag:s26] =	ssyncadd.s32 $0xFFFFE000  }
0x43: {  	_ =	swait.ge [sflag:s26], $0x2000  }
0x44: {  	[sflag:s26] =	ssyncset.done $0x0  }
0x45: {  	[sflag:s26] =	ssyncadd.s32 $0xFFFFE000  }
0x46: {  	_ =	swait.ge [sflag:s26], $0x2000  }
0x47: {  	[sflag:s26] =	ssyncset.done $0x0  }
0x48: {  	[sflag:s26] =	ssyncadd.s32 $0xFFFFE000  }
0x49: {  	_ =	swait.ge [sflag:s26], $0x2000  }
0x4a: {  	s8 =	rddreg [dreg:$0x8];
	[sflag:s26] =	ssyncset.done $0x0  }
0x4b: {  	s9 =	rddreg [dreg:$0x7];
	[sflag:s26] =	ssyncadd.s32 $0xFFFFE000;
	s0 =	sadd.s32 s3, s8  }
0x4c: {  	[hbm4b:s0+s4] =	stream.linear.scatter [tilespmem:s13], [sflag:$0x3], $0x2000, $0x38;
	[tilespmem:$0x15C00] =	vst v63  }
0x4d: {  	s8 =	rddreg [dreg:$0x6];
	s10 =	sadd.s32 s3, s9  }
0x4e: {  	[hbm4b:s10+s4] =	stream.linear.scatter [tilespmem:s14], [sflag:$0x3], $0x2000, $0x38;
	[tilespmem:$0x15C00] =	vst v63  }
0x4f: {  	s15 =	rddreg [dreg:$0x5];
	s17 =	sadd.s32 s3, s8  }
0x50: {  	[hbm4b:s17+s4] =	stream.linear.scatter [tilespmem:s16], [sflag:$0x3], $0x2000, $0x38;
	[tilespmem:$0x15C00] =	vst v63  }
0x51: {  	s19 =	rddreg [dreg:$0x4];
	s2 =	sadd.s32 s3, s15  }
0x52: {  	[hbm4b:s2+s4] =	stream.linear.scatter [tilespmem:s18], [sflag:$0x3], $0x2000, $0x38;
	[tilespmem:$0x15C00] =	vst v63  }
0x53: {  	s8 =	sadd.s32 s3, s19  }
0x54: {  	[hbm4b:s8+s4] =	stream.linear.scatter [tilespmem:s20], [sflag:$0x3], $0x2000, $0x38;
	[tilespmem:$0x15C00] =	vst v63  }
0x55: {  	_ =	swait.ge [sflag:s28], $0x2000  }
0x56: {  	[sflag:s28] =	ssyncset.done $0x0  }
0x57: {  	[sflag:s28] =	ssyncadd.s32 $0xFFFFE000  }
0x58: {  	_ =	swait.ge [sflag:s28], $0x2000  }
0x59: {  	[sflag:s28] =	ssyncset.done $0x0  }
0x5a: {  	[sflag:s28] =	ssyncadd.s32 $0xFFFFE000  }
0x5b: {  	_ =	swait.ge [sflag:s28], $0x2000  }
0x5c: {  	[sflag:s28] =	ssyncset.done $0x0  }
0x5d: {  	[sflag:s28] =	ssyncadd.s32 $0xFFFFE000  }
0x5e: {  	_ =	swait.ge [sflag:s28], $0x2000  }
0x5f: {  	[sflag:s28] =	ssyncset.done $0x0  }
0x60: {  	[sflag:s28] =	ssyncadd.s32 $0xFFFFE000  }
0x61: {  	p0 =	por $0x0, $0x0;
	_ =	swait.ge [sflag:s28], $0x2000  }
0x62: {  	s0 =	simm.s32 @!p0 $0x1C00;
	[sflag:s28] =	ssyncset.done $0x0  }
0x63: {  	s2 =	simm.s32 @!p0 $0x280;
	s8 =	simm.s32 @!p0 $0x40;
	[sflag:s28] =	ssyncadd.s32 $0xFFFFE000  }
0x64: {  	[tilespmem:s0], [sflag:$0x1] =	stream.indirect.gather @!p0 [hbm4b:s1+s8], $0x80, s2, s8, $0xb8;
	[tilespmem:$0x15C00] =	vst v63  }
0x65: {  	s0 =	simm.s32 @!p0 $0x2C0;
	s2 =	simm.s32 @!p0 $0x3C00  }
0x66: {  	[tilespmem:s2], [sflag:$0x1] =	stream.indirect.gather @!p0 [hbm4b:s1+s8], $0x80, s0, s8, $0xb8;
	[tilespmem:$0x15C00] =	vst v63  }
0x67: {  	s0 =	simm.s32 @!p0 $0x300;
	s2 =	simm.s32 @!p0 $0x5C00  }
0x68: {  	[tilespmem:s2], [sflag:$0x1] =	stream.indirect.gather @!p0 [hbm4b:s1+s8], $0x80, s0, s8, $0xb8;
	[tilespmem:$0x15C00] =	vst v63  }
0x69: {  	s0 =	simm.s32 @!p0 $0x340;
	s2 =	simm.s32 @!p0 $0x7C00  }
0x6a: {  	[tilespmem:s2], [sflag:$0x1] =	stream.indirect.gather @!p0 [hbm4b:s1+s8], $0x80, s0, s8, $0xb8;
	[tilespmem:$0x15C00] =	vst v63  }
0x6b: {  	s0 =	simm.s32 @!p0 $0x380;
	s2 =	simm.s32 @!p0 $0x9C00  }
0x6c: {  	[tilespmem:s2], [sflag:$0x1] =	stream.indirect.gather @!p0 [hbm4b:s1+s8], $0x80, s0, s8, $0xb8;
	[tilespmem:$0x15C00] =	vst v63  }
0x6d: {  	_ =	swait.ge [sflag:s29], $0x2000  }
0x6e: {  	[sflag:s29] =	ssyncset.done $0x0  }
0x6f: {  	[sflag:s29] =	ssyncadd.s32 $0xFFFFE000  }
0x70: {  	_ =	swait.ge [sflag:s29], $0x2000  }
0x71: {  	[sflag:s29] =	ssyncset.done $0x0  }
0x72: {  	[sflag:s29] =	ssyncadd.s32 $0xFFFFE000  }
0x73: {  	_ =	swait.ge [sflag:s29], $0x2000  }
0x74: {  	[sflag:s29] =	ssyncset.done $0x0  }
0x75: {  	[sflag:s29] =	ssyncadd.s32 $0xFFFFE000  }
0x76: {  	_ =	swait.ge [sflag:s29], $0x2000  }
0x77: {  	[sflag:s29] =	ssyncset.done $0x0  }
0x78: {  	[sflag:s29] =	ssyncadd.s32 $0xFFFFE000  }
0x79: {  	_ =	swait.ge [sflag:s29], $0x2000  }
0x7a: {  	s9 =	rddreg [dreg:$0x9]  }
0x7b: {  	[sflag:s29] =	ssyncset.done $0x0;
	s10 =	sadd.s32 s3, s9  }
0x7c: {  	[sflag:s29] =	ssyncadd.s32 $0xFFFFE000;
	s0 =	sadd.s32 $0x20400, s10  }
0x7d: {  	[hbm4b:s0+s4] =	stream.linear.scatter [tilespmem:s21], [sflag:$0x3], $0x2000, $0x38;
	[tilespmem:$0x15C00] =	vst v63  }
0x7e: {  	p6 =	por $0x0, $0x0;
	s31 =	sadd.s32 $0x50000, s3;
	s15 =	sadd.s32 $0x30000, s10  }
0x7f: {  	[hbm4b:s15+s4] =	stream.linear.scatter [tilespmem:s22], [sflag:$0x3], $0x2000, $0x38;
	[tilespmem:$0x15C00] =	vst v63  }
0x80: {  	s2 =	simm.s32 $0x1400;
	p0 =	por p6, p6;
	s17 =	sadd.s32 $0x30400, s10  }
0x81: {  	[hbm4b:s17+s4] =	stream.linear.scatter [tilespmem:s23], [sflag:$0x3], $0x2000, $0x38;
	[tilespmem:$0x15C00] =	vst v63  }
0x82: {  	s19 =	sadd.s32 $0x40000, s10;
	s8 =	sadd.s32 $0x40400, s10;
	s0 =	simm.s32 $0xA00  }
0x83: {  	[hbm4b:s19+s4] =	stream.linear.scatter [tilespmem:s24], [sflag:$0x3], $0x2000, $0x38;
	[tilespmem:$0x15C00] =	vst v63  }
.LBB2_2:
0x84: {  	[hbm4b:s8+s4] =	stream.linear.scatter [tilespmem:s25], [sflag:$0x3], $0x2000, $0x38;
	[tilespmem:$0x15C00] =	vst v63  }
0x85: {  	s9 =	simm.s32 @!p0 $0x3  }
0x86: {  	_ =	swait.ge @!p0 [sflag:s9], $0x2000  }
0x87: {  	[sflag:s9] =	ssyncset.done @!p0 $0x0  }
0x88: {  	[sflag:s9] =	ssyncadd.s32 @!p0 $0xFFFFE000  }
0x89: {  	_ =	swait.ge @!p0 [sflag:s9], $0x2000  }
0x8a: {  	[sflag:s9] =	ssyncset.done @!p0 $0x0  }
0x8b: {  	[sflag:s9] =	ssyncadd.s32 @!p0 $0xFFFFE000  }
0x8c: {  	_ =	swait.ge @!p0 [sflag:s9], $0x2000  }
0x8d: {  	[sflag:s9] =	ssyncset.done @!p0 $0x0  }
0x8e: {  	[sflag:s9] =	ssyncadd.s32 @!p0 $0xFFFFE000  }
0x8f: {  	_ =	swait.ge @!p0 [sflag:s9], $0x2000  }
0x90: {  	[sflag:s9] =	ssyncset.done @!p0 $0x0  }
0x91: {  	[sflag:s9] =	ssyncadd.s32 @!p0 $0xFFFFE000  }
0x92: {  	_ =	swait.ge @!p0 [sflag:s9], $0x2000  }
0x93: {  	s10 =	sshra.s32 s0, $0x2;
	[sflag:s9] =	ssyncset.done @!p0 $0x0  }
0x94: {  	s19 =	sadd.s32 $0x140, s10;
	[sflag:s9] =	ssyncadd.s32 @!p0 $0xFFFFE000  }
0x95: {  	[tilespmem:s21], [sflag:$0x2] =	stream.indirect.gather [hbm4b:s1+s12], $0x80, s19, s12, $0xb8;
	[tilespmem:$0x15C00] =	vst v63  }
0x96: {  	s15 =	sadd.s32 $0x180, s10  }
0x97: {  	[tilespmem:s22], [sflag:$0x2] =	stream.indirect.gather [hbm4b:s1+s12], $0x80, s15, s12, $0xb8;
	[tilespmem:$0x15C00] =	vst v63  }
0x98: {  	s17 =	sadd.s32 $0x1C0, s10  }
0x99: {  	[tilespmem:s23], [sflag:$0x2] =	stream.indirect.gather [hbm4b:s1+s12], $0x80, s17, s12, $0xb8;
	[tilespmem:$0x15C00] =	vst v63  }
0x9a: {  	s19 =	sadd.s32 $0x200, s10  }
0x9b: {  	[tilespmem:s24], [sflag:$0x2] =	stream.indirect.gather [hbm4b:s1+s12], $0x80, s19, s12, $0xb8;
	[tilespmem:$0x15C00] =	vst v63  }
0x9c: {  	s10 =	sadd.s32 $0x240, s10  }
0x9d: {  	[tilespmem:s25], [sflag:$0x2] =	stream.indirect.gather [hbm4b:s1+s12], $0x80, s10, s12, $0xb8;
	[tilespmem:$0x15C00] =	vst v63  }
0x9e: {  	_ =	swait.ge [sflag:s26], $0x2000  }
0x9f: {  	[sflag:s26] =	ssyncset.done $0x0  }
0xa0: {  	[sflag:s26] =	ssyncadd.s32 $0xFFFFE000  }
0xa1: {  	_ =	swait.ge [sflag:s26], $0x2000  }
0xa2: {  	[sflag:s26] =	ssyncset.done $0x0  }
0xa3: {  	[sflag:s26] =	ssyncadd.s32 $0xFFFFE000  }
0xa4: {  	_ =	swait.ge [sflag:s26], $0x2000  }
0xa5: {  	[sflag:s26] =	ssyncset.done $0x0  }
0xa6: {  	[sflag:s26] =	ssyncadd.s32 $0xFFFFE000  }
0xa7: {  	_ =	swait.ge [sflag:s26], $0x2000  }
0xa8: {  	[sflag:s26] =	ssyncset.done $0x0  }
0xa9: {  	[sflag:s26] =	ssyncadd.s32 $0xFFFFE000  }
0xaa: {  	_ =	swait.ge [sflag:s26], $0x2000  }
0xab: {  	s15 =	rddreg [dreg:$0x8];
	[sflag:s26] =	ssyncset.done $0x0  }
0xac: {  	s17 =	rddreg [dreg:$0x7];
	[sflag:s26] =	ssyncadd.s32 $0xFFFFE000;
	s9 =	sadd.s32 s31, s15  }
0xad: {  	[hbm4b:s9+s4] =	stream.linear.scatter [tilespmem:s13], [sflag:$0x3], $0x2000, $0x38;
	[tilespmem:$0x15C00] =	vst v63  }
0xae: {  	s15 =	rddreg [dreg:$0x6];
	s19 =	sadd.s32 s31, s17  }
0xaf: {  	[hbm4b:s19+s4] =	stream.linear.scatter [tilespmem:s14], [sflag:$0x3], $0x2000, $0x38;
	[tilespmem:$0x15C00] =	vst v63  }
0xb0: {  	s10 =	rddreg [dreg:$0x5];
	s17 =	sadd.s32 s31, s15  }
0xb1: {  	[hbm4b:s17+s4] =	stream.linear.scatter [tilespmem:s16], [sflag:$0x3], $0x2000, $0x38;
	[tilespmem:$0x15C00] =	vst v63  }
0xb2: {  	s19 =	rddreg [dreg:$0x4];
	s17 =	sadd.s32 s31, s10  }
0xb3: {  	[hbm4b:s17+s4] =	stream.linear.scatter [tilespmem:s18], [sflag:$0x3], $0x2000, $0x38;
	[tilespmem:$0x15C00] =	vst v63  }
0xb4: {  	s19 =	sadd.s32 s31, s19  }
0xb5: {  	[hbm4b:s19+s4] =	stream.linear.scatter [tilespmem:s20], [sflag:$0x3], $0x2000, $0x38;
	[tilespmem:$0x15C00] =	vst v63  }
0xb6: {  	_ =	swait.ge [sflag:s28], $0x2000  }
0xb7: {  	[sflag:s28] =	ssyncset.done $0x0  }
0xb8: {  	[sflag:s28] =	ssyncadd.s32 $0xFFFFE000  }
0xb9: {  	_ =	swait.ge [sflag:s28], $0x2000  }
0xba: {  	[sflag:s28] =	ssyncset.done $0x0  }
0xbb: {  	[sflag:s28] =	ssyncadd.s32 $0xFFFFE000  }
0xbc: {  	_ =	swait.ge [sflag:s28], $0x2000  }
0xbd: {  	[sflag:s28] =	ssyncset.done $0x0  }
0xbe: {  	[sflag:s28] =	ssyncadd.s32 $0xFFFFE000  }
0xbf: {  	_ =	swait.ge [sflag:s28], $0x2000  }
0xc0: {  	s8 =	smov.u32 s2;
	[sflag:s28] =	ssyncset.done $0x0  }
0xc1: {  	p2 =	seq.s32 s8, $0x0;
	[sflag:s28] =	ssyncadd.s32 $0xFFFFE000  }
0xc2: {  	p0 =	por p2, p2;
	p2 =	seq.s32 s0, $0x5A00;
	_ =	swait.ge [sflag:s28], $0x2000  }
0xc3: {  	s0 =	sshra.s32 @!p2 s0, $0x2;
	s9 =	simm.s32 @!p2 $0x1C00;
	[sflag:s28] =	ssyncset.done $0x0  }
0xc4: {  	s15 =	simm.s32 @!p2 $0x40;
	s10 =	sadd.s32 @!p2 $0x280, s0;
	[sflag:s28] =	ssyncadd.s32 $0xFFFFE000  }
0xc5: {  	[tilespmem:s9], [sflag:$0x1] =	stream.indirect.gather @!p2 [hbm4b:s1+s15], $0x80, s10, s15, $0xb8;
	[tilespmem:$0x15C00] =	vst v63  }
0xc6: {  	s9 =	sadd.s32 @!p2 $0x2C0, s0;
	s10 =	simm.s32 @!p2 $0x3C00  }
0xc7: {  	[tilespmem:s10], [sflag:$0x1] =	stream.indirect.gather @!p2 [hbm4b:s1+s15], $0x80, s9, s15, $0xb8;
	[tilespmem:$0x15C00] =	vst v63  }
0xc8: {  	s17 =	sadd.s32 @!p2 $0x300, s0;
	s9 =	simm.s32 @!p2 $0x5C00  }
0xc9: {  	[tilespmem:s9], [sflag:$0x1] =	stream.indirect.gather @!p2 [hbm4b:s1+s15], $0x80, s17, s15, $0xb8;
	[tilespmem:$0x15C00] =	vst v63  }
0xca: {  	s10 =	sadd.s32 @!p2 $0x340, s0;
	s9 =	simm.s32 @!p2 $0x7C00  }
0xcb: {  	[tilespmem:s9], [sflag:$0x1] =	stream.indirect.gather @!p2 [hbm4b:s1+s15], $0x80, s10, s15, $0xb8;
	[tilespmem:$0x15C00] =	vst v63  }
0xcc: {  	s19 =	sadd.s32 @!p2 $0x380, s0;
	s0 =	smov.u32 s8;
	s8 =	simm.s32 @!p2 $0x9C00  }
0xcd: {  	[tilespmem:s8], [sflag:$0x1] =	stream.indirect.gather @!p2 [hbm4b:s1+s15], $0x80, s19, s15, $0xb8;
	[tilespmem:$0x15C00] =	vst v63  }
0xce: {  	_ =	swait.ge [sflag:s29], $0x2000  }
0xcf: {  	[sflag:s29] =	ssyncset.done $0x0  }
0xd0: {  	[sflag:s29] =	ssyncadd.s32 $0xFFFFE000  }
0xd1: {  	_ =	swait.ge [sflag:s29], $0x2000  }
0xd2: {  	[sflag:s29] =	ssyncset.done $0x0  }
0xd3: {  	[sflag:s29] =	ssyncadd.s32 $0xFFFFE000  }
0xd4: {  	_ =	swait.ge [sflag:s29], $0x2000  }
0xd5: {  	[sflag:s29] =	ssyncset.done $0x0  }
0xd6: {  	[sflag:s29] =	ssyncadd.s32 $0xFFFFE000  }
0xd7: {  	_ =	swait.ge [sflag:s29], $0x2000  }
0xd8: {  	[sflag:s29] =	ssyncset.done $0x0  }
0xd9: {  	[sflag:s29] =	ssyncadd.s32 $0xFFFFE000  }
0xda: {  	_ =	swait.ge [sflag:s29], $0x2000  }
0xdb: {  	s9 =	rddreg [dreg:$0x9]  }
0xdc: {  	[sflag:s29] =	ssyncset.done $0x0;
	s8 =	sadd.s32 s31, s9  }
0xdd: {  	s2 =	sadd.s32 $0xA00, s2;
	[sflag:s29] =	ssyncadd.s32 $0xFFFFE000;
	s10 =	sadd.s32 $0x20400, s8  }
0xde: {  	[hbm4b:s10+s4] =	stream.linear.scatter [tilespmem:s21], [sflag:$0x3], $0x2000, $0x38;
	[tilespmem:$0x15C00] =	vst v63  }
0xdf: {  	p1 =	sne.s32 s2, $0x6400;
	s15 =	sadd.s32 $0x30000, s8  }
0xe0: {  	[hbm4b:s15+s4] =	stream.linear.scatter [tilespmem:s22], [sflag:$0x3], $0x2000, $0x38;
	[tilespmem:$0x15C00] =	vst v63  }
.Ltmp0:
0xe1: {  	_ = 	snop;
	(pc) =	sbr.rel @p1 .LBB2_2-.Ltmp0, $4  }
0xe2: {  	s17 =	sadd.s32 $0x30400, s8  }
0xe3: {  	[hbm4b:s17+s4] =	stream.linear.scatter [tilespmem:s23], [sflag:$0x3], $0x2000, $0x38;
	[tilespmem:$0x15C00] =	vst v63  }
0xe4: {  	s31 =	sadd.s32 $0x50000, s31;
	s19 =	sadd.s32 $0x40000, s8;
	s8 =	sadd.s32 $0x40400, s8  }
0xe5: {  	[hbm4b:s19+s4] =	stream.linear.scatter [tilespmem:s24], [sflag:$0x3], $0x2000, $0x38;
	[tilespmem:$0x15C00] =	vst v63  }
0xe6: {  	[hbm4b:s8+s4] =	stream.linear.scatter [tilespmem:s25], [sflag:$0x3], $0x2000, $0x38;
	[tilespmem:$0x15C00] =	vst v63  }
0xe7: {  	s2 =	simm.s32 @!p0 $0x3  }
0xe8: {  	_ =	swait.ge @!p0 [sflag:s2], $0x2000  }
0xe9: {  	[sflag:s2] =	ssyncset.done @!p0 $0x0  }
0xea: {  	[sflag:s2] =	ssyncadd.s32 @!p0 $0xFFFFE000  }
0xeb: {  	_ =	swait.ge @!p0 [sflag:s2], $0x2000  }
0xec: {  	[sflag:s2] =	ssyncset.done @!p0 $0x0  }
0xed: {  	[sflag:s2] =	ssyncadd.s32 @!p0 $0xFFFFE000  }
0xee: {  	_ =	swait.ge @!p0 [sflag:s2], $0x2000  }
0xef: {  	[sflag:s2] =	ssyncset.done @!p0 $0x0  }
0xf0: {  	[sflag:s2] =	ssyncadd.s32 @!p0 $0xFFFFE000  }
0xf1: {  	_ =	swait.ge @!p0 [sflag:s2], $0x2000  }
0xf2: {  	[sflag:s2] =	ssyncset.done @!p0 $0x0  }
0xf3: {  	[sflag:s2] =	ssyncadd.s32 @!p0 $0xFFFFE000  }
0xf4: {  	_ =	swait.ge @!p0 [sflag:s2], $0x2000  }
0xf5: {  	s15 =	sshra.s32 s0, $0x2;
	[sflag:s2] =	ssyncset.done @!p0 $0x0  }
0xf6: {  	s17 =	sadd.s32 $0x140, s15;
	[sflag:s2] =	ssyncadd.s32 @!p0 $0xFFFFE000  }
0xf7: {  	[tilespmem:s21], [sflag:$0x2] =	stream.indirect.gather [hbm4b:s1+s12], $0x80, s17, s12, $0xb8;
	[tilespmem:$0x15C00] =	vst v63  }
0xf8: {  	s19 =	sadd.s32 $0x180, s15  }
0xf9: {  	[tilespmem:s22], [sflag:$0x2] =	stream.indirect.gather [hbm4b:s1+s12], $0x80, s19, s12, $0xb8;
	[tilespmem:$0x15C00] =	vst v63  }
0xfa: {  	s9 =	sadd.s32 $0x1C0, s15  }
0xfb: {  	[tilespmem:s23], [sflag:$0x2] =	stream.indirect.gather [hbm4b:s1+s12], $0x80, s9, s12, $0xb8;
	[tilespmem:$0x15C00] =	vst v63  }
0xfc: {  	s10 =	sadd.s32 $0x200, s15  }
0xfd: {  	[tilespmem:s24], [sflag:$0x2] =	stream.indirect.gather [hbm4b:s1+s12], $0x80, s10, s12, $0xb8;
	[tilespmem:$0x15C00] =	vst v63  }
0xfe: {  	s15 =	sadd.s32 $0x240, s15  }
0xff: {  	[tilespmem:s25], [sflag:$0x2] =	stream.indirect.gather [hbm4b:s1+s12], $0x80, s15, s12, $0xb8;
	[tilespmem:$0x15C00] =	vst v63  }
0x100: {  	_ =	swait.ge [sflag:s26], $0x2000  }
0x101: {  	[sflag:s26] =	ssyncset.done $0x0  }
0x102: {  	[sflag:s26] =	ssyncadd.s32 $0xFFFFE000  }
0x103: {  	_ =	swait.ge [sflag:s26], $0x2000  }
0x104: {  	[sflag:s26] =	ssyncset.done $0x0  }
0x105: {  	[sflag:s26] =	ssyncadd.s32 $0xFFFFE000  }
0x106: {  	_ =	swait.ge [sflag:s26], $0x2000  }
0x107: {  	[sflag:s26] =	ssyncset.done $0x0  }
0x108: {  	[sflag:s26] =	ssyncadd.s32 $0xFFFFE000  }
0x109: {  	_ =	swait.ge [sflag:s26], $0x2000  }
0x10a: {  	[sflag:s26] =	ssyncset.done $0x0  }
0x10b: {  	[sflag:s26] =	ssyncadd.s32 $0xFFFFE000  }
0x10c: {  	_ =	swait.ge [sflag:s26], $0x2000  }
0x10d: {  	s17 =	rddreg [dreg:$0x8];
	[sflag:s26] =	ssyncset.done $0x0  }
0x10e: {  	s19 =	rddreg [dreg:$0x7];
	[sflag:s26] =	ssyncadd.s32 $0xFFFFE000;
	s2 =	sadd.s32 s31, s17  }
0x10f: {  	[hbm4b:s2+s4] =	stream.linear.scatter [tilespmem:s13], [sflag:$0x3], $0x2000, $0x38;
	[tilespmem:$0x15C00] =	vst v63  }
0x110: {  	s9 =	rddreg [dreg:$0x6];
	s10 =	sadd.s32 s31, s19  }
0x111: {  	[hbm4b:s10+s4] =	stream.linear.scatter [tilespmem:s14], [sflag:$0x3], $0x2000, $0x38;
	[tilespmem:$0x15C00] =	vst v63  }
0x112: {  	s15 =	rddreg [dreg:$0x5];
	s17 =	sadd.s32 s31, s9  }
0x113: {  	[hbm4b:s17+s4] =	stream.linear.scatter [tilespmem:s16], [sflag:$0x3], $0x2000, $0x38;
	[tilespmem:$0x15C00] =	vst v63  }
0x114: {  	s19 =	rddreg [dreg:$0x4];
	s8 =	sadd.s32 s31, s15  }
0x115: {  	[hbm4b:s8+s4] =	stream.linear.scatter [tilespmem:s18], [sflag:$0x3], $0x2000, $0x38;
	[tilespmem:$0x15C00] =	vst v63  }
0x116: {  	s9 =	sadd.s32 s31, s19  }
0x117: {  	[hbm4b:s9+s4] =	stream.linear.scatter [tilespmem:s20], [sflag:$0x3], $0x2000, $0x38;
	[tilespmem:$0x15C00] =	vst v63  }
0x118: {  	_ =	swait.ge [sflag:s28], $0x2000  }
0x119: {  	[sflag:s28] =	ssyncset.done $0x0  }
0x11a: {  	[sflag:s28] =	ssyncadd.s32 $0xFFFFE000  }
0x11b: {  	_ =	swait.ge [sflag:s28], $0x2000  }
0x11c: {  	[sflag:s28] =	ssyncset.done $0x0  }
0x11d: {  	[sflag:s28] =	ssyncadd.s32 $0xFFFFE000  }
0x11e: {  	_ =	swait.ge [sflag:s28], $0x2000  }
0x11f: {  	[sflag:s28] =	ssyncset.done $0x0  }
0x120: {  	[sflag:s28] =	ssyncadd.s32 $0xFFFFE000  }
0x121: {  	_ =	swait.ge [sflag:s28], $0x2000  }
0x122: {  	[sflag:s28] =	ssyncset.done $0x0  }
0x123: {  	[sflag:s28] =	ssyncadd.s32 $0xFFFFE000  }
0x124: {  	p0 =	seq.s32 s0, $0x5A00;
	_ =	swait.ge [sflag:s28], $0x2000  }
0x125: {  	s0 =	sshra.s32 @!p0 s0, $0x2;
	s2 =	simm.s32 @!p0 $0x1C00;
	[sflag:s28] =	ssyncset.done $0x0  }
0x126: {  	s8 =	sadd.s32 @!p0 $0x280, s0;
	s9 =	simm.s32 @!p0 $0x40;
	[sflag:s28] =	ssyncadd.s32 $0xFFFFE000  }
0x127: {  	[tilespmem:s2], [sflag:$0x1] =	stream.indirect.gather @!p0 [hbm4b:s1+s9], $0x80, s8, s9, $0xb8;
	[tilespmem:$0x15C00] =	vst v63  }
0x128: {  	s2 =	sadd.s32 @!p0 $0x2C0, s0;
	s8 =	simm.s32 @!p0 $0x3C00  }
0x129: {  	[tilespmem:s8], [sflag:$0x1] =	stream.indirect.gather @!p0 [hbm4b:s1+s9], $0x80, s2, s9, $0xb8;
	[tilespmem:$0x15C00] =	vst v63  }
0x12a: {  	s2 =	sadd.s32 @!p0 $0x300, s0;
	s8 =	simm.s32 @!p0 $0x5C00  }
0x12b: {  	[tilespmem:s8], [sflag:$0x1] =	stream.indirect.gather @!p0 [hbm4b:s1+s9], $0x80, s2, s9, $0xb8;
	[tilespmem:$0x15C00] =	vst v63  }
0x12c: {  	s2 =	sadd.s32 @!p0 $0x340, s0;
	s8 =	simm.s32 @!p0 $0x7C00  }
0x12d: {  	[tilespmem:s8], [sflag:$0x1] =	stream.indirect.gather @!p0 [hbm4b:s1+s9], $0x80, s2, s9, $0xb8;
	[tilespmem:$0x15C00] =	vst v63  }
0x12e: {  	s0 =	sadd.s32 @!p0 $0x380, s0;
	s2 =	simm.s32 @!p0 $0x9C00  }
0x12f: {  	[tilespmem:s2], [sflag:$0x1] =	stream.indirect.gather @!p0 [hbm4b:s1+s9], $0x80, s0, s9, $0xb8;
	[tilespmem:$0x15C00] =	vst v63  }
0x130: {  	_ =	swait.ge [sflag:s29], $0x2000  }
0x131: {  	[sflag:s29] =	ssyncset.done $0x0  }
0x132: {  	[sflag:s29] =	ssyncadd.s32 $0xFFFFE000  }
0x133: {  	_ =	swait.ge [sflag:s29], $0x2000  }
0x134: {  	[sflag:s29] =	ssyncset.done $0x0  }
0x135: {  	[sflag:s29] =	ssyncadd.s32 $0xFFFFE000  }
0x136: {  	_ =	swait.ge [sflag:s29], $0x2000  }
0x137: {  	[sflag:s29] =	ssyncset.done $0x0  }
0x138: {  	[sflag:s29] =	ssyncadd.s32 $0xFFFFE000  }
0x139: {  	_ =	swait.ge [sflag:s29], $0x2000  }
0x13a: {  	[sflag:s29] =	ssyncset.done $0x0  }
0x13b: {  	[sflag:s29] =	ssyncadd.s32 $0xFFFFE000  }
0x13c: {  	_ =	swait.ge [sflag:s29], $0x2000  }
0x13d: {  	s10 =	rddreg [dreg:$0x9]  }
0x13e: {  	[sflag:s29] =	ssyncset.done $0x0;
	s0 =	sadd.s32 s31, s10  }
0x13f: {  	[sflag:s29] =	ssyncadd.s32 $0xFFFFE000;
	s15 =	sadd.s32 $0x20400, s0  }
0x140: {  	[hbm4b:s15+s4] =	stream.linear.scatter [tilespmem:s21], [sflag:$0x3], $0x2000, $0x38;
	[tilespmem:$0x15C00] =	vst v63  }
0x141: {  	s17 =	sadd.s32 $0x30000, s0  }
0x142: {  	[hbm4b:s17+s4] =	stream.linear.scatter [tilespmem:s22], [sflag:$0x3], $0x2000, $0x38;
	[tilespmem:$0x15C00] =	vst v63  }
0x143: {  	s19 =	sadd.s32 $0x30400, s0  }
0x144: {  	[hbm4b:s19+s4] =	stream.linear.scatter [tilespmem:s23], [sflag:$0x3], $0x2000, $0x38;
	[tilespmem:$0x15C00] =	vst v63  }
0x145: {  	s31 =	sadd.s32 $0x40000, s0  }
0x146: {  	[hbm4b:s31+s4] =	stream.linear.scatter [tilespmem:s24], [sflag:$0x3], $0x2000, $0x38;
	[tilespmem:$0x15C00] =	vst v63  }
0x147: {  	s0 =	sadd.s32 $0x40400, s0  }
0x148: {  	[hbm4b:s0+s4] =	stream.linear.scatter [tilespmem:s25], [sflag:$0x3], $0x2000, $0x38;
	[tilespmem:$0x15C00] =	vst v63  }
0x149: {  	_ =	swait.ge [sflag:s28], $0x2000  }
0x14a: {  	[sflag:s28] =	ssyncset.done $0x0  }
0x14b: {  	[sflag:s28] =	ssyncadd.s32 $0xFFFFE000  }
0x14c: {  	_ =	swait.ge [sflag:s28], $0x2000  }
0x14d: {  	[sflag:s28] =	ssyncset.done $0x0  }
0x14e: {  	[sflag:s28] =	ssyncadd.s32 $0xFFFFE000  }
0x14f: {  	_ =	swait.ge [sflag:s28], $0x2000  }
0x150: {  	[sflag:s28] =	ssyncset.done $0x0  }
0x151: {  	s30 =	sadd.s32 $0x1, s30;
	[sflag:s28] =	ssyncadd.s32 $0xFFFFE000  }
0x152: {  	p0 =	sne.s32 s30, s7;
	_ =	swait.ge [sflag:s28], $0x2000  }
.Ltmp1:
0x153: {  	[sflag:s28] =	ssyncset.done $0x0;
	(pc) =	sbr.rel @p0 .LBB2_1-.Ltmp1, $4  }
0x154: {  	[sflag:s28] =	ssyncadd.s32 $0xFFFFE000  }
0x155: {  	_ =	swait.ge [sflag:s28], $0x2000  }
0x156: {  	[sflag:s28] =	ssyncset.done $0x0  }
0x157: {  	[sflag:s28] =	ssyncadd.s32 $0xFFFFE000  }
0x158: {  	_ =	sfence.sel $0x180000  }
0x159: {  	[bflag:$0x0] =	sbarrier.arrive $0xFFFF  }
0x15a: {  	_ =	strace $0x90000047  }
0x15b: {  	s0 =	stileid.u32;
	[bflag:$0x2] =	sbarrier.arrive $0xFFFF  }
0x15c: {  	p0 =	sne.s32 s0, $0x0;
	s0 =	rddreg [dreg:$0x3]  }
0x15d: {  	s0 =	sadd.s32 @!p0 $0x100000, s0  }
0x15e: {  	[sflag:s0] =	ssyncadd.tile.s32 @!p0 $0x1;
	_ =	shalt  }
.Lfunc_end2:
_tile_overlayer_lowered:
.L_overlay_start_2:
0x15f: {  	(tag) =	ssettag $0x2  }
0x160: {  	s0 =	rddreg [dreg:$0x0];
	s2 =	stileid.u32  }
0x161: {  	s1 =	rddreg [dreg:$0x1];
	p0 =	sne.s32 s2, $0x0  }
0x162: {  	s3 =	rddreg [dreg:$0x2];
	[bflag:$0x3] =	sbarrier.arrive $0xFFFF;
	s2 =	simm.s32 @!p0 $0x1C04  }
0x163: {  	[timem:s3], [sflag:s2] =	dma.local @!p0 [hbm:s0], s1  }
0x164: {  	s0 =	simm.s32 @!p0 $0x4  }
0x165: {  	_ =	swait.ge @!p0 [sflag:s0], s1  }
0x166: {  	s1 =	ssub.s32 @!p0 $0x0, s1;
	[sflag:s0] =	ssyncset.done @!p0 $0x0  }
0x167: {  	[sflag:s0] =	ssyncadd.s32 @!p0 s1  }
0x168: {  	[bflag:$0x3] =	sbarrier.arrive $0xFFFF  }
0x169: {  	_ =	shalt  }

</sc_bundles>
